<compile_context>
chip_gen: v7x
topology: tpu7x:2x2x1
jax: 0.10.2.dev20260603
libtpu: 0.0.44.dev20260713+nightly
codegen_flags: <defaults>
</compile_context>

<pallas_src>
import functools

import jax
import jax.numpy as jnp
import numpy as np
from jax import lax
from jax.experimental import pallas as pl
from jax.experimental.pallas import tpu as pltpu
from jax.experimental.pallas import tpu_sc as plsc

_N, _C, _H, _W = 64, 768, 24, 24
_SIZE = 51
_TABLE = _C * _SIZE

_NC, _NS, _L = 2, 16, 16
_NW = _NC * _NS
_NSLABS = _N * _H
_SLABS_PER_W = _NSLABS // _NW
_CVECS = _C // _L

_LO = np.float32(-(0.1 * (_SIZE // 2)))
_HI = np.float32(0.1 * (_SIZE // 2 - 1))
_INV_GRID = np.float32(10.0)
_F_CENTER = np.float32(_SIZE // 2)


def _body(x_hbm, tab_hbm, out_hbm, tab_v,
          in0, in1, out0, out1, sin0, sin1, sout0, sout1):
    wid = lax.axis_index("s") * _NC + lax.axis_index("c")
    pltpu.sync_copy(tab_hbm, tab_v)
    slab0 = wid * _SLABS_PER_W

    ins, outs = (in0, in1), (out0, out1)
    sins, souts = (sin0, sin1), (sout0, sout1)

    def src(g):
        return x_hbm.at[slab0 + g]

    def dst(g):
        return out_hbm.at[slab0 + g]

    iota51 = lax.iota(jnp.int32, _L) * _SIZE

    def compute(in_v, out_v):
        def row_body(w, _):
            @plsc.parallel_loop(0, _CVECS, step=1, unroll=6)
            def _cvec(k):
                bv = iota51 + k * (_L * _SIZE)
                cb = k * _L
                xv = in_v[w, pl.ds(cb, _L)]
                xc = jnp.minimum(jnp.maximum(xv, _LO), _HI)
                u = xc * _INV_GRID + _F_CENTER
                iu = u.astype(jnp.int32)
                frac = u - iu.astype(jnp.float32)
                idx = iu + bv
                pw = plsc.load_gather(tab_v, [idx])
                g0 = plsc.bitcast(lax.shift_left(pw, 16), jnp.float32)
                g1 = plsc.bitcast(jnp.bitwise_and(pw, jnp.int32(-65536)),
                                  jnp.float32)
                out_v[w, pl.ds(cb, _L)] = g0 + frac * (g1 - g0)

            return 0

        lax.fori_loop(0, _W, row_body, 0)

    pltpu.make_async_copy(src(0), in0, sin0).start()

    def g2_body(g2, _):
        for b in range(2):
            g = g2 * 2 + b

            @pl.when(g + 1 < _SLABS_PER_W)
            def _prefetch():
                pltpu.make_async_copy(src(g + 1), ins[1 - b], sins[1 - b]).start()

            pltpu.make_async_copy(src(g), ins[b], sins[b]).wait()

            @pl.when(g >= 2)
            def _drain():
                pltpu.make_async_copy(outs[b], dst(g - 2), souts[b]).wait()

            compute(ins[b], outs[b])
            pltpu.make_async_copy(outs[b], dst(g), souts[b]).start()
        return 0

    lax.fori_loop(0, _SLABS_PER_W // 2, g2_body, 0)
    pltpu.make_async_copy(out0, dst(_SLABS_PER_W - 2), sout0).wait()
    pltpu.make_async_copy(out1, dst(_SLABS_PER_W - 1), sout1).wait()


_sc_kernel = functools.partial(
    pl.kernel,
    out_type=jax.ShapeDtypeStruct((_NSLABS, _W, _C), jnp.float32),
    mesh=plsc.VectorSubcoreMesh(
        core_axis_name="c", subcore_axis_name="s",
        num_cores=_NC, num_subcores=_NS,
    ),
    scratch_types=[
        pltpu.VMEM((_TABLE,), jnp.int32),
        pltpu.VMEM((_W, _C), jnp.float32),
        pltpu.VMEM((_W, _C), jnp.float32),
        pltpu.VMEM((_W, _C), jnp.float32),
        pltpu.VMEM((_W, _C), jnp.float32),
        pltpu.SemaphoreType.DMA,
        pltpu.SemaphoreType.DMA,
        pltpu.SemaphoreType.DMA,
        pltpu.SemaphoreType.DMA,
    ],
    compiler_params=pltpu.CompilerParams(
        needs_layout_passes=False,
        use_tc_tiling_on_sc=True,
    ),
)(_body)


@jax.jit
def kernel(input, coefficients_vect):
    xp = jnp.transpose(input, (0, 2, 3, 1)).reshape(_NSLABS, _W, _C)
    tb = lax.bitcast_convert_type(
        coefficients_vect.astype(jnp.bfloat16), jnp.uint16).astype(jnp.uint32)
    hi = jnp.concatenate([tb[1:], jnp.zeros((1,), jnp.uint32)])
    packed = lax.bitcast_convert_type((hi << 16) | tb, jnp.int32)
    out = _sc_kernel(xp, packed)
    out = out.reshape(_N, _H, _W, _C)
    return jnp.transpose(out, (0, 3, 1, 2))

# --- scband reference (transcript-rebuilt; emitter-appended) ---
"""Pipeline reference for scband-bspline-activation-48653389529324 (READ-ONLY COPY).

The authoritative reference and input builder live on the scoring server;
editing this copy changes nothing except your own understanding.
"""

import jax, jax.numpy as jnp
import numpy as np

NUM_ACTIVATIONS = 768
SIZE = 51
GRID = 0.1

def _init_coefficients():
    # Mirrors BSplineActivation.__init__: grid_tensor of knot positions,
    # first half abs(), second half softshrink(lambd=0.5).
    grid_arange = jnp.arange(-(SIZE // 2), SIZE // 2 + 1, dtype=jnp.float32) * GRID
    grid_tensor = jnp.broadcast_to(grid_arange, (NUM_ACTIVATIONS, SIZE))
    half = NUM_ACTIVATIONS // 2
    top = jnp.abs(grid_tensor[:half, :])
    g = grid_tensor[half:, :]
    bottom = jnp.sign(g) * jnp.maximum(jnp.abs(g) - 0.5, 0.0)  # softshrink(0.5)
    coefficients = jnp.concatenate([top, bottom], axis=0)
    return coefficients.reshape(-1)

def setup_inputs(seed: int = 0) -> dict:
    key = jax.random.key(seed)
    x = jax.random.normal(key, (64, 768, 24, 24), dtype=jnp.float32)
    coefficients_vect = _init_coefficients()
    return {"input": x, "coefficients_vect": coefficients_vect}

def reference(input, coefficients_vect):
    # mode='conv': input is 4D (N, C, H, W) with C == num_activations.
    size = SIZE
    grid = GRID
    num_activations = input.shape[1]
    assert num_activations == NUM_ACTIVATIONS
    # zero_knot_indexes: start index of the center knot of each activation's
    # coefficient row inside the flattened coefficient vector.
    zero_knot_indexes = jnp.arange(num_activations, dtype=jnp.float32) * size + (size // 2)
    # Linear B-spline (B1) evaluation: clamp to knot range, locate left knot,
    # gather two neighboring coefficients, linearly interpolate.
    x_clamped = jnp.clip(input, -(grid * (size // 2)), grid * (size // 2 - 1))
    floored_x = jnp.floor(x_clamped / grid)
    fracs = x_clamped / grid - floored_x
    indexes = (zero_knot_indexes.reshape(1, -1, 1, 1) + floored_x).astype(jnp.int32)
    out = jnp.take(coefficients_vect, indexes + 1) * fracs + jnp.take(coefficients_vect, indexes) * (1.0 - fracs)
    return out

if __name__ == "__main__":
    import jax
    _d = setup_inputs()
    print(jax.jit(kernel)(*tuple(_d.values())))

</pallas_src>

<mosaic_0001>
#map = affine_map<(d0, d1) -> (0, 0, 0)>
#map1 = affine_map<(d0, d1) -> (0)>
module attributes {stable_mosaic.version = 14 : i64} {
  func.func @_body(%arg0: i32, %arg1: i32, %arg2: memref<1536x24x768xf32, #tpu.memory_space<hbm>>, %arg3: memref<39168xi32, #tpu.memory_space<hbm>>, %arg4: memref<1536x24x768xf32, #tpu.memory_space<hbm>>, %arg5: memref<39168xi32, #tpu.memory_space<vmem>>, %arg6: memref<24x768xf32, #tpu.memory_space<vmem>>, %arg7: memref<24x768xf32, #tpu.memory_space<vmem>>, %arg8: memref<24x768xf32, #tpu.memory_space<vmem>>, %arg9: memref<24x768xf32, #tpu.memory_space<vmem>>, %arg10: memref<!tpu.dma_semaphore, #tpu.memory_space<semaphore_mem>>, %arg11: memref<!tpu.dma_semaphore, #tpu.memory_space<semaphore_mem>>, %arg12: memref<!tpu.dma_semaphore, #tpu.memory_space<semaphore_mem>>, %arg13: memref<!tpu.dma_semaphore, #tpu.memory_space<semaphore_mem>>) attributes {dimension_semantics = [#tpu.dimension_semantics<core_parallel>, #tpu.dimension_semantics<subcore_parallel>], iteration_bounds = array<i64: 2, 16>, scalar_prefetch = 0 : i64, scratch_operands = 9 : i64, tpu.core_type = #tpu.core_type<sc_vector_subcore>, window_params = [{transform_indices = #map}, {transform_indices = #map1}, {transform_indices = #map}]} {
    %mul3A = arith.constant 2 : i32
    %mul3A_0 = arith.muli %arg1, %mul3A : i32
    %add3A = arith.addi %mul3A_0, %arg0 : i32
    "tpu.region"() ({
      %run_scoped3A = tpu.sem_alloc : memref<!tpu.dma_semaphore, #tpu.memory_space<semaphore_mem>>
      tpu.enqueue_dma source(%arg3 : memref<39168xi32, #tpu.memory_space<hbm>>) target(%arg5 : memref<39168xi32, #tpu.memory_space<vmem>>) target_semaphore(%run_scoped3A : memref<!tpu.dma_semaphore, #tpu.memory_space<semaphore_mem>>)
      tpu.wait_dma2 semaphore(%run_scoped3A : memref<!tpu.dma_semaphore, #tpu.memory_space<semaphore_mem>>) src(%arg3 : memref<39168xi32, #tpu.memory_space<hbm>>) dst(%arg5 : memref<39168xi32, #tpu.memory_space<vmem>>)
      tpu.yield
    }) : () -> ()
    %mul3A_1 = arith.constant 48 : i32
    %mul3A_2 = arith.muli %add3A, %mul3A_1 : i32
    %iota3A = tpu.iota {dimensions = array<i32: 0>} : vector<16xi32>
    %mul3A_3 = arith.constant 51 : i32
    %mul3A_4 = vector.broadcast %mul3A_3 : i32 to vector<16xi32>
    %mul3A_5 = arith.muli %iota3A, %mul3A_4 : vector<16xi32>
    %add3A_6 = arith.constant 0 : i32
    %add3A_7 = arith.addi %mul3A_2, %add3A_6 : i32
    %dma_start3A = arith.constant 0 : i32
    %dma_start3A_8 = arith.constant 0 : i32
    %dma_start3A_9 = tpu.memref_slice %arg2[%add3A_7, %dma_start3A, %dma_start3A_8] : memref<1536x24x768xf32, #tpu.memory_space<hbm>> -> memref<1x24x768xf32, #tpu.memory_space<hbm>>
    %dma_start3A_10 = tpu.memref_squeeze %dma_start3A_9 : memref<1x24x768xf32, #tpu.memory_space<hbm>> -> memref<24x768xf32, #tpu.memory_space<hbm>>
    %dma_start3A_11 = arith.constant 0 : i32
    %dma_start3A_12 = arith.constant 0 : i32
    %dma_start3A_13 = tpu.memref_slice %arg2[%add3A_7, %dma_start3A_11, %dma_start3A_12] : memref<1536x24x768xf32, #tpu.memory_space<hbm>> -> memref<1x24x768xf32, #tpu.memory_space<hbm>>
    %dma_start3A_14 = tpu.memref_squeeze %dma_start3A_13 : memref<1x24x768xf32, #tpu.memory_space<hbm>> -> memref<24x768xf32, #tpu.memory_space<hbm>>
    tpu.enqueue_dma source(%dma_start3A_14 : memref<24x768xf32, #tpu.memory_space<hbm>>) target(%arg6 : memref<24x768xf32, #tpu.memory_space<vmem>>) target_semaphore(%arg10 : memref<!tpu.dma_semaphore, #tpu.memory_space<semaphore_mem>>)
    %scan3A = arith.constant 0 : i32
    %scan3A_15 = arith.constant 0 : i32
    %scan3A_16 = arith.constant 24 : i32
    %scan3A_17 = arith.addi %scan3A_15, %scan3A_16 : i32
    %scan3A_18 = arith.constant 1 : i32
    %scan3A_19 = scf.for %scan3A_40 = %scan3A_15 to %scan3A_17 step %scan3A_18 iter_args(%scan3A_41 = %scan3A) -> (i32)  : i32 {
      %mul3A_42 = arith.constant 2 : i32
      %mul3A_43 = arith.muli %scan3A_40, %mul3A_42 : i32
      %add3A_44 = arith.constant 0 : i32
      %add3A_45 = arith.addi %mul3A_43, %add3A_44 : i32
      %add3A_46 = arith.constant 1 : i32
      %add3A_47 = arith.addi %add3A_45, %add3A_46 : i32
      %lt3A = arith.constant 48 : i32
      %lt3A_48 = arith.cmpi slt, %add3A_47, %lt3A : i32
      %convert_element_type3A = arith.extui %lt3A_48 : i1 to i32
      %cond3A = arith.constant 0 : i32
      %cond3A_49 = arith.cmpi ne, %convert_element_type3A, %cond3A : i32
      scf.if %cond3A_49 {
        %add3A_121 = arith.constant 1 : i32
        %add3A_122 = arith.addi %add3A_45, %add3A_121 : i32
        %add3A_123 = arith.addi %mul3A_2, %add3A_122 : i32
        %dma_start3A_124 = arith.constant 0 : i32
        %dma_start3A_125 = arith.constant 0 : i32
        %dma_start3A_126 = tpu.memref_slice %arg2[%add3A_123, %dma_start3A_124, %dma_start3A_125] : memref<1536x24x768xf32, #tpu.memory_space<hbm>> -> memref<1x24x768xf32, #tpu.memory_space<hbm>>
        %dma_start3A_127 = tpu.memref_squeeze %dma_start3A_126 : memref<1x24x768xf32, #tpu.memory_space<hbm>> -> memref<24x768xf32, #tpu.memory_space<hbm>>
        %dma_start3A_128 = arith.constant 0 : i32
        %dma_start3A_129 = arith.constant 0 : i32
        %dma_start3A_130 = tpu.memref_slice %arg2[%add3A_123, %dma_start3A_128, %dma_start3A_129] : memref<1536x24x768xf32, #tpu.memory_space<hbm>> -> memref<1x24x768xf32, #tpu.memory_space<hbm>>
        %dma_start3A_131 = tpu.memref_squeeze %dma_start3A_130 : memref<1x24x768xf32, #tpu.memory_space<hbm>> -> memref<24x768xf32, #tpu.memory_space<hbm>>
        tpu.enqueue_dma source(%dma_start3A_131 : memref<24x768xf32, #tpu.memory_space<hbm>>) target(%arg7 : memref<24x768xf32, #tpu.memory_space<vmem>>) target_semaphore(%arg11 : memref<!tpu.dma_semaphore, #tpu.memory_space<semaphore_mem>>)
      } else {
      }
      %add3A_50 = arith.addi %mul3A_2, %add3A_45 : i32
      %dma_wait3A_51 = arith.constant 0 : i32
      %dma_wait3A_52 = arith.constant 0 : i32
      %dma_wait3A_53 = tpu.memref_slice %arg2[%add3A_50, %dma_wait3A_51, %dma_wait3A_52] : memref<1536x24x768xf32, #tpu.memory_space<hbm>> -> memref<1x24x768xf32, #tpu.memory_space<hbm>>
      %dma_wait3A_54 = tpu.memref_squeeze %dma_wait3A_53 : memref<1x24x768xf32, #tpu.memory_space<hbm>> -> memref<24x768xf32, #tpu.memory_space<hbm>>
      %dma_wait3A_55 = arith.constant 0 : i32
      %dma_wait3A_56 = arith.constant 0 : i32
      %dma_wait3A_57 = tpu.memref_slice %arg2[%add3A_50, %dma_wait3A_55, %dma_wait3A_56] : memref<1536x24x768xf32, #tpu.memory_space<hbm>> -> memref<1x24x768xf32, #tpu.memory_space<hbm>>
      %dma_wait3A_58 = tpu.memref_squeeze %dma_wait3A_57 : memref<1x24x768xf32, #tpu.memory_space<hbm>> -> memref<24x768xf32, #tpu.memory_space<hbm>>
      tpu.wait_dma2 semaphore(%arg10 : memref<!tpu.dma_semaphore, #tpu.memory_space<semaphore_mem>>) src(%dma_wait3A_58 : memref<24x768xf32, #tpu.memory_space<hbm>>) dst(%arg6 : memref<24x768xf32, #tpu.memory_space<vmem>>)
      %ge3A = arith.constant 2 : i32
      %ge3A_59 = arith.cmpi sge, %add3A_45, %ge3A : i32
      %convert_element_type3A_60 = arith.extui %ge3A_59 : i1 to i32
      %cond3A_61 = arith.constant 0 : i32
      %cond3A_62 = arith.cmpi ne, %convert_element_type3A_60, %cond3A_61 : i32
      scf.if %cond3A_62 {
        %sub3A = arith.constant 2 : i32
        %sub3A_121 = arith.subi %add3A_45, %sub3A : i32
        %add3A_122 = arith.addi %mul3A_2, %sub3A_121 : i32
        %dma_wait3A_123 = arith.constant 0 : i32
        %dma_wait3A_124 = arith.constant 0 : i32
        %dma_wait3A_125 = tpu.memref_slice %arg4[%add3A_122, %dma_wait3A_123, %dma_wait3A_124] : memref<1536x24x768xf32, #tpu.memory_space<hbm>> -> memref<1x24x768xf32, #tpu.memory_space<hbm>>
        %dma_wait3A_126 = tpu.memref_squeeze %dma_wait3A_125 : memref<1x24x768xf32, #tpu.memory_space<hbm>> -> memref<24x768xf32, #tpu.memory_space<hbm>>
        %dma_wait3A_127 = arith.constant 0 : i32
        %dma_wait3A_128 = arith.constant 0 : i32
        %dma_wait3A_129 = tpu.memref_slice %arg4[%add3A_122, %dma_wait3A_127, %dma_wait3A_128] : memref<1536x24x768xf32, #tpu.memory_space<hbm>> -> memref<1x24x768xf32, #tpu.memory_space<hbm>>
        %dma_wait3A_130 = tpu.memref_squeeze %dma_wait3A_129 : memref<1x24x768xf32, #tpu.memory_space<hbm>> -> memref<24x768xf32, #tpu.memory_space<hbm>>
        tpu.wait_dma2 semaphore(%arg12 : memref<!tpu.dma_semaphore, #tpu.memory_space<semaphore_mem>>) src(%arg8 : memref<24x768xf32, #tpu.memory_space<vmem>>) dst(%dma_wait3A_130 : memref<24x768xf32, #tpu.memory_space<hbm>>)
      } else {
      }
      %scan3A_63 = arith.constant 0 : i32
      %scan3A_64 = arith.constant 0 : i32
      %scan3A_65 = arith.constant 24 : i32
      %scan3A_66 = arith.addi %scan3A_64, %scan3A_65 : i32
      %scan3A_67 = arith.constant 1 : i32
      %scan3A_68 = scf.for %scan3A_121 = %scan3A_64 to %scan3A_66 step %scan3A_67 iter_args(%scan3A_122 = %scan3A_63) -> (i32)  : i32 {
        %parallel_loop3A = arith.constant 0 : i32
        %parallel_loop3A_123 = arith.constant 48 : i32
        %parallel_loop3A_124 = arith.constant 1 : i32
        scf.for %parallel_loop3A_126 = %parallel_loop3A to %parallel_loop3A_123 step %parallel_loop3A_124  : i32 {
          %parallel_loop3A_127 = arith.constant 816 : i32
          %parallel_loop3A_128 = arith.muli %parallel_loop3A_126, %parallel_loop3A_127 : i32
          %parallel_loop3A_129 = vector.broadcast %parallel_loop3A_128 : i32 to vector<16xi32>
          %parallel_loop3A_130 = arith.addi %mul3A_5, %parallel_loop3A_129 : vector<16xi32>
          %parallel_loop3A_131 = arith.constant 16 : i32
          %parallel_loop3A_132 = arith.muli %parallel_loop3A_126, %parallel_loop3A_131 : i32
          %parallel_loop3A_133 = arith.index_cast %scan3A_121 : i32 to index
          %parallel_loop3A_134 = arith.index_cast %parallel_loop3A_132 : i32 to index
          %parallel_loop3A_135 = tpu.vector_load %arg6[%parallel_loop3A_133, %parallel_loop3A_134] {strides = array<i32>} : memref<24x768xf32, #tpu.memory_space<vmem>>, vector<16xf32>,
          %parallel_loop3A_136 = arith.constant -2.500000e+00 : f32
          %parallel_loop3A_137 = vector.broadcast %parallel_loop3A_136 : f32 to vector<16xf32>
          %parallel_loop3A_138 = arith.maximumf %parallel_loop3A_135, %parallel_loop3A_137 : vector<16xf32>
          %parallel_loop3A_139 = arith.constant 2.400000e+00 : f32
          %parallel_loop3A_140 = vector.broadcast %parallel_loop3A_139 : f32 to vector<16xf32>
          %parallel_loop3A_141 = arith.minimumf %parallel_loop3A_138, %parallel_loop3A_140 : vector<16xf32>
          %parallel_loop3A_142 = arith.constant 1.000000e+01 : f32
          %parallel_loop3A_143 = vector.broadcast %parallel_loop3A_142 : f32 to vector<16xf32>
          %parallel_loop3A_144 = arith.mulf %parallel_loop3A_141, %parallel_loop3A_143 : vector<16xf32>
          %parallel_loop3A_145 = arith.constant 2.500000e+01 : f32
          %parallel_loop3A_146 = vector.broadcast %parallel_loop3A_145 : f32 to vector<16xf32>
          %parallel_loop3A_147 = arith.addf %parallel_loop3A_144, %parallel_loop3A_146 : vector<16xf32>
          %parallel_loop3A_148 = arith.fptosi %parallel_loop3A_147 : vector<16xf32> to vector<16xi32>
          %parallel_loop3A_149 = arith.sitofp %parallel_loop3A_148 : vector<16xi32> to vector<16xf32>
          %parallel_loop3A_150 = arith.subf %parallel_loop3A_147, %parallel_loop3A_149 : vector<16xf32>
          %parallel_loop3A_151 = arith.addi %parallel_loop3A_148, %parallel_loop3A_130 : vector<16xi32>
          %parallel_loop3A_152 = tpu.vector_load_idx %arg5[%parallel_loop3A_151] : memref<39168xi32, #tpu.memory_space<vmem>>[vector<16xi32>], vector<16xi32>,
          %parallel_loop3A_153 = arith.constant 16 : i32
          %parallel_loop3A_154 = vector.broadcast %parallel_loop3A_153 : i32 to vector<16xi32>
          %parallel_loop3A_155 = arith.shli %parallel_loop3A_152, %parallel_loop3A_154 : vector<16xi32>
          %parallel_loop3A_156 = vector.bitcast %parallel_loop3A_155 : vector<16xi32> to vector<16xf32>
          %parallel_loop3A_157 = arith.constant -65536 : i32
          %parallel_loop3A_158 = vector.broadcast %parallel_loop3A_157 : i32 to vector<16xi32>
          %parallel_loop3A_159 = arith.andi %parallel_loop3A_152, %parallel_loop3A_158 : vector<16xi32>
          %parallel_loop3A_160 = vector.bitcast %parallel_loop3A_159 : vector<16xi32> to vector<16xf32>
          %parallel_loop3A_161 = arith.subf %parallel_loop3A_160, %parallel_loop3A_156 : vector<16xf32>
          %parallel_loop3A_162 = arith.mulf %parallel_loop3A_150, %parallel_loop3A_161 : vector<16xf32>
          %parallel_loop3A_163 = arith.addf %parallel_loop3A_156, %parallel_loop3A_162 : vector<16xf32>
          %parallel_loop3A_164 = arith.index_cast %scan3A_121 : i32 to index
          %parallel_loop3A_165 = arith.index_cast %parallel_loop3A_132 : i32 to index
          %parallel_loop3A_166 = tpu.vector_load %arg8[%parallel_loop3A_164, %parallel_loop3A_165] {strides = array<i32>} : memref<24x768xf32, #tpu.memory_space<vmem>>, vector<16xf32>,
          tpu.vector_store %arg8[%parallel_loop3A_164, %parallel_loop3A_165], %parallel_loop3A_163 {strides = array<i32>} : memref<24x768xf32, #tpu.memory_space<vmem>>, vector<16xf32>,
        } {sc.loop_unroll_factor = 6 : i64, sc.parallel_access}
        %scan3A_125 = arith.constant 0 : i32
        scf.yield %scan3A_125 : i32
      }
      %scan3A_69 = arith.constant 24 : i32
      %add3A_70 = arith.addi %mul3A_2, %add3A_45 : i32
      %dma_start3A_71 = arith.constant 0 : i32
      %dma_start3A_72 = arith.constant 0 : i32
      %dma_start3A_73 = tpu.memref_slice %arg4[%add3A_70, %dma_start3A_71, %dma_start3A_72] : memref<1536x24x768xf32, #tpu.memory_space<hbm>> -> memref<1x24x768xf32, #tpu.memory_space<hbm>>
      %dma_start3A_74 = tpu.memref_squeeze %dma_start3A_73 : memref<1x24x768xf32, #tpu.memory_space<hbm>> -> memref<24x768xf32, #tpu.memory_space<hbm>>
      %dma_start3A_75 = arith.constant 0 : i32
      %dma_start3A_76 = arith.constant 0 : i32
      %dma_start3A_77 = tpu.memref_slice %arg4[%add3A_70, %dma_start3A_75, %dma_start3A_76] : memref<1536x24x768xf32, #tpu.memory_space<hbm>> -> memref<1x24x768xf32, #tpu.memory_space<hbm>>
      %dma_start3A_78 = tpu.memref_squeeze %dma_start3A_77 : memref<1x24x768xf32, #tpu.memory_space<hbm>> -> memref<24x768xf32, #tpu.memory_space<hbm>>
      tpu.enqueue_dma source(%arg8 : memref<24x768xf32, #tpu.memory_space<vmem>>) target(%dma_start3A_78 : memref<24x768xf32, #tpu.memory_space<hbm>>) target_semaphore(%arg12 : memref<!tpu.dma_semaphore, #tpu.memory_space<semaphore_mem>>)
      %mul3A_79 = arith.constant 2 : i32
      %mul3A_80 = arith.muli %scan3A_40, %mul3A_79 : i32
      %add3A_81 = arith.constant 1 : i32
      %add3A_82 = arith.addi %mul3A_80, %add3A_81 : i32
      %add3A_83 = arith.constant 1 : i32
      %add3A_84 = arith.addi %add3A_82, %add3A_83 : i32
      %lt3A_85 = arith.constant 48 : i32
      %lt3A_86 = arith.cmpi slt, %add3A_84, %lt3A_85 : i32
      %convert_element_type3A_87 = arith.extui %lt3A_86 : i1 to i32
      %cond3A_88 = arith.constant 0 : i32
      %cond3A_89 = arith.cmpi ne, %convert_element_type3A_87, %cond3A_88 : i32
      scf.if %cond3A_89 {
        %add3A_121 = arith.constant 1 : i32
        %add3A_122 = arith.addi %add3A_82, %add3A_121 : i32
        %add3A_123 = arith.addi %mul3A_2, %add3A_122 : i32
        %dma_start3A_124 = arith.constant 0 : i32
        %dma_start3A_125 = arith.constant 0 : i32
        %dma_start3A_126 = tpu.memref_slice %arg2[%add3A_123, %dma_start3A_124, %dma_start3A_125] : memref<1536x24x768xf32, #tpu.memory_space<hbm>> -> memref<1x24x768xf32, #tpu.memory_space<hbm>>
        %dma_start3A_127 = tpu.memref_squeeze %dma_start3A_126 : memref<1x24x768xf32, #tpu.memory_space<hbm>> -> memref<24x768xf32, #tpu.memory_space<hbm>>
        %dma_start3A_128 = arith.constant 0 : i32
        %dma_start3A_129 = arith.constant 0 : i32
        %dma_start3A_130 = tpu.memref_slice %arg2[%add3A_123, %dma_start3A_128, %dma_start3A_129] : memref<1536x24x768xf32, #tpu.memory_space<hbm>> -> memref<1x24x768xf32, #tpu.memory_space<hbm>>
        %dma_start3A_131 = tpu.memref_squeeze %dma_start3A_130 : memref<1x24x768xf32, #tpu.memory_space<hbm>> -> memref<24x768xf32, #tpu.memory_space<hbm>>
        tpu.enqueue_dma source(%dma_start3A_131 : memref<24x768xf32, #tpu.memory_space<hbm>>) target(%arg6 : memref<24x768xf32, #tpu.memory_space<vmem>>) target_semaphore(%arg10 : memref<!tpu.dma_semaphore, #tpu.memory_space<semaphore_mem>>)
      } else {
      }
      %add3A_90 = arith.addi %mul3A_2, %add3A_82 : i32
      %dma_wait3A_91 = arith.constant 0 : i32
      %dma_wait3A_92 = arith.constant 0 : i32
      %dma_wait3A_93 = tpu.memref_slice %arg2[%add3A_90, %dma_wait3A_91, %dma_wait3A_92] : memref<1536x24x768xf32, #tpu.memory_space<hbm>> -> memref<1x24x768xf32, #tpu.memory_space<hbm>>
      %dma_wait3A_94 = tpu.memref_squeeze %dma_wait3A_93 : memref<1x24x768xf32, #tpu.memory_space<hbm>> -> memref<24x768xf32, #tpu.memory_space<hbm>>
      %dma_wait3A_95 = arith.constant 0 : i32
      %dma_wait3A_96 = arith.constant 0 : i32
      %dma_wait3A_97 = tpu.memref_slice %arg2[%add3A_90, %dma_wait3A_95, %dma_wait3A_96] : memref<1536x24x768xf32, #tpu.memory_space<hbm>> -> memref<1x24x768xf32, #tpu.memory_space<hbm>>
      %dma_wait3A_98 = tpu.memref_squeeze %dma_wait3A_97 : memref<1x24x768xf32, #tpu.memory_space<hbm>> -> memref<24x768xf32, #tpu.memory_space<hbm>>
      tpu.wait_dma2 semaphore(%arg11 : memref<!tpu.dma_semaphore, #tpu.memory_space<semaphore_mem>>) src(%dma_wait3A_98 : memref<24x768xf32, #tpu.memory_space<hbm>>) dst(%arg7 : memref<24x768xf32, #tpu.memory_space<vmem>>)
      %ge3A_99 = arith.constant 2 : i32
      %ge3A_100 = arith.cmpi sge, %add3A_82, %ge3A_99 : i32
      %convert_element_type3A_101 = arith.extui %ge3A_100 : i1 to i32
      %cond3A_102 = arith.constant 0 : i32
      %cond3A_103 = arith.cmpi ne, %convert_element_type3A_101, %cond3A_102 : i32
      scf.if %cond3A_103 {
        %sub3A = arith.constant 2 : i32
        %sub3A_121 = arith.subi %add3A_82, %sub3A : i32
        %add3A_122 = arith.addi %mul3A_2, %sub3A_121 : i32
        %dma_wait3A_123 = arith.constant 0 : i32
        %dma_wait3A_124 = arith.constant 0 : i32
        %dma_wait3A_125 = tpu.memref_slice %arg4[%add3A_122, %dma_wait3A_123, %dma_wait3A_124] : memref<1536x24x768xf32, #tpu.memory_space<hbm>> -> memref<1x24x768xf32, #tpu.memory_space<hbm>>
        %dma_wait3A_126 = tpu.memref_squeeze %dma_wait3A_125 : memref<1x24x768xf32, #tpu.memory_space<hbm>> -> memref<24x768xf32, #tpu.memory_space<hbm>>
        %dma_wait3A_127 = arith.constant 0 : i32
        %dma_wait3A_128 = arith.constant 0 : i32
        %dma_wait3A_129 = tpu.memref_slice %arg4[%add3A_122, %dma_wait3A_127, %dma_wait3A_128] : memref<1536x24x768xf32, #tpu.memory_space<hbm>> -> memref<1x24x768xf32, #tpu.memory_space<hbm>>
        %dma_wait3A_130 = tpu.memref_squeeze %dma_wait3A_129 : memref<1x24x768xf32, #tpu.memory_space<hbm>> -> memref<24x768xf32, #tpu.memory_space<hbm>>
        tpu.wait_dma2 semaphore(%arg13 : memref<!tpu.dma_semaphore, #tpu.memory_space<semaphore_mem>>) src(%arg9 : memref<24x768xf32, #tpu.memory_space<vmem>>) dst(%dma_wait3A_130 : memref<24x768xf32, #tpu.memory_space<hbm>>)
      } else {
      }
      %scan3A_104 = arith.constant 0 : i32
      %scan3A_105 = arith.constant 0 : i32
      %scan3A_106 = arith.constant 24 : i32
      %scan3A_107 = arith.addi %scan3A_105, %scan3A_106 : i32
      %scan3A_108 = arith.constant 1 : i32
      %scan3A_109 = scf.for %scan3A_121 = %scan3A_105 to %scan3A_107 step %scan3A_108 iter_args(%scan3A_122 = %scan3A_104) -> (i32)  : i32 {
        %parallel_loop3A = arith.constant 0 : i32
        %parallel_loop3A_123 = arith.constant 48 : i32
        %parallel_loop3A_124 = arith.constant 1 : i32
        scf.for %parallel_loop3A_126 = %parallel_loop3A to %parallel_loop3A_123 step %parallel_loop3A_124  : i32 {
          %parallel_loop3A_127 = arith.constant 816 : i32
          %parallel_loop3A_128 = arith.muli %parallel_loop3A_126, %parallel_loop3A_127 : i32
          %parallel_loop3A_129 = vector.broadcast %parallel_loop3A_128 : i32 to vector<16xi32>
          %parallel_loop3A_130 = arith.addi %mul3A_5, %parallel_loop3A_129 : vector<16xi32>
          %parallel_loop3A_131 = arith.constant 16 : i32
          %parallel_loop3A_132 = arith.muli %parallel_loop3A_126, %parallel_loop3A_131 : i32
          %parallel_loop3A_133 = arith.index_cast %scan3A_121 : i32 to index
          %parallel_loop3A_134 = arith.index_cast %parallel_loop3A_132 : i32 to index
          %parallel_loop3A_135 = tpu.vector_load %arg7[%parallel_loop3A_133, %parallel_loop3A_134] {strides = array<i32>} : memref<24x768xf32, #tpu.memory_space<vmem>>, vector<16xf32>,
          %parallel_loop3A_136 = arith.constant -2.500000e+00 : f32
          %parallel_loop3A_137 = vector.broadcast %parallel_loop3A_136 : f32 to vector<16xf32>
          %parallel_loop3A_138 = arith.maximumf %parallel_loop3A_135, %parallel_loop3A_137 : vector<16xf32>
          %parallel_loop3A_139 = arith.constant 2.400000e+00 : f32
          %parallel_loop3A_140 = vector.broadcast %parallel_loop3A_139 : f32 to vector<16xf32>
          %parallel_loop3A_141 = arith.minimumf %parallel_loop3A_138, %parallel_loop3A_140 : vector<16xf32>
          %parallel_loop3A_142 = arith.constant 1.000000e+01 : f32
          %parallel_loop3A_143 = vector.broadcast %parallel_loop3A_142 : f32 to vector<16xf32>
          %parallel_loop3A_144 = arith.mulf %parallel_loop3A_141, %parallel_loop3A_143 : vector<16xf32>
          %parallel_loop3A_145 = arith.constant 2.500000e+01 : f32
          %parallel_loop3A_146 = vector.broadcast %parallel_loop3A_145 : f32 to vector<16xf32>
          %parallel_loop3A_147 = arith.addf %parallel_loop3A_144, %parallel_loop3A_146 : vector<16xf32>
          %parallel_loop3A_148 = arith.fptosi %parallel_loop3A_147 : vector<16xf32> to vector<16xi32>
          %parallel_loop3A_149 = arith.sitofp %parallel_loop3A_148 : vector<16xi32> to vector<16xf32>
          %parallel_loop3A_150 = arith.subf %parallel_loop3A_147, %parallel_loop3A_149 : vector<16xf32>
          %parallel_loop3A_151 = arith.addi %parallel_loop3A_148, %parallel_loop3A_130 : vector<16xi32>
          %parallel_loop3A_152 = tpu.vector_load_idx %arg5[%parallel_loop3A_151] : memref<39168xi32, #tpu.memory_space<vmem>>[vector<16xi32>], vector<16xi32>,
          %parallel_loop3A_153 = arith.constant 16 : i32
          %parallel_loop3A_154 = vector.broadcast %parallel_loop3A_153 : i32 to vector<16xi32>
          %parallel_loop3A_155 = arith.shli %parallel_loop3A_152, %parallel_loop3A_154 : vector<16xi32>
          %parallel_loop3A_156 = vector.bitcast %parallel_loop3A_155 : vector<16xi32> to vector<16xf32>
          %parallel_loop3A_157 = arith.constant -65536 : i32
          %parallel_loop3A_158 = vector.broadcast %parallel_loop3A_157 : i32 to vector<16xi32>
          %parallel_loop3A_159 = arith.andi %parallel_loop3A_152, %parallel_loop3A_158 : vector<16xi32>
          %parallel_loop3A_160 = vector.bitcast %parallel_loop3A_159 : vector<16xi32> to vector<16xf32>
          %parallel_loop3A_161 = arith.subf %parallel_loop3A_160, %parallel_loop3A_156 : vector<16xf32>
          %parallel_loop3A_162 = arith.mulf %parallel_loop3A_150, %parallel_loop3A_161 : vector<16xf32>
          %parallel_loop3A_163 = arith.addf %parallel_loop3A_156, %parallel_loop3A_162 : vector<16xf32>
          %parallel_loop3A_164 = arith.index_cast %scan3A_121 : i32 to index
          %parallel_loop3A_165 = arith.index_cast %parallel_loop3A_132 : i32 to index
          %parallel_loop3A_166 = tpu.vector_load %arg9[%parallel_loop3A_164, %parallel_loop3A_165] {strides = array<i32>} : memref<24x768xf32, #tpu.memory_space<vmem>>, vector<16xf32>,
          tpu.vector_store %arg9[%parallel_loop3A_164, %parallel_loop3A_165], %parallel_loop3A_163 {strides = array<i32>} : memref<24x768xf32, #tpu.memory_space<vmem>>, vector<16xf32>,
        } {sc.loop_unroll_factor = 6 : i64, sc.parallel_access}
        %scan3A_125 = arith.constant 0 : i32
        scf.yield %scan3A_125 : i32
      }
      %scan3A_110 = arith.constant 24 : i32
      %add3A_111 = arith.addi %mul3A_2, %add3A_82 : i32
      %dma_start3A_112 = arith.constant 0 : i32
      %dma_start3A_113 = arith.constant 0 : i32
      %dma_start3A_114 = tpu.memref_slice %arg4[%add3A_111, %dma_start3A_112, %dma_start3A_113] : memref<1536x24x768xf32, #tpu.memory_space<hbm>> -> memref<1x24x768xf32, #tpu.memory_space<hbm>>
      %dma_start3A_115 = tpu.memref_squeeze %dma_start3A_114 : memref<1x24x768xf32, #tpu.memory_space<hbm>> -> memref<24x768xf32, #tpu.memory_space<hbm>>
      %dma_start3A_116 = arith.constant 0 : i32
      %dma_start3A_117 = arith.constant 0 : i32
      %dma_start3A_118 = tpu.memref_slice %arg4[%add3A_111, %dma_start3A_116, %dma_start3A_117] : memref<1536x24x768xf32, #tpu.memory_space<hbm>> -> memref<1x24x768xf32, #tpu.memory_space<hbm>>
      %dma_start3A_119 = tpu.memref_squeeze %dma_start3A_118 : memref<1x24x768xf32, #tpu.memory_space<hbm>> -> memref<24x768xf32, #tpu.memory_space<hbm>>
      tpu.enqueue_dma source(%arg9 : memref<24x768xf32, #tpu.memory_space<vmem>>) target(%dma_start3A_119 : memref<24x768xf32, #tpu.memory_space<hbm>>) target_semaphore(%arg13 : memref<!tpu.dma_semaphore, #tpu.memory_space<semaphore_mem>>)
      %scan3A_120 = arith.constant 0 : i32
      scf.yield %scan3A_120 : i32
    }
    %scan3A_20 = arith.constant 24 : i32
    %add3A_21 = arith.constant 46 : i32
    %add3A_22 = arith.addi %mul3A_2, %add3A_21 : i32
    %dma_wait3A = arith.constant 0 : i32
    %dma_wait3A_23 = arith.constant 0 : i32
    %dma_wait3A_24 = tpu.memref_slice %arg4[%add3A_22, %dma_wait3A, %dma_wait3A_23] : memref<1536x24x768xf32, #tpu.memory_space<hbm>> -> memref<1x24x768xf32, #tpu.memory_space<hbm>>
    %dma_wait3A_25 = tpu.memref_squeeze %dma_wait3A_24 : memref<1x24x768xf32, #tpu.memory_space<hbm>> -> memref<24x768xf32, #tpu.memory_space<hbm>>
    %dma_wait3A_26 = arith.constant 0 : i32
    %dma_wait3A_27 = arith.constant 0 : i32
    %dma_wait3A_28 = tpu.memref_slice %arg4[%add3A_22, %dma_wait3A_26, %dma_wait3A_27] : memref<1536x24x768xf32, #tpu.memory_space<hbm>> -> memref<1x24x768xf32, #tpu.memory_space<hbm>>
    %dma_wait3A_29 = tpu.memref_squeeze %dma_wait3A_28 : memref<1x24x768xf32, #tpu.memory_space<hbm>> -> memref<24x768xf32, #tpu.memory_space<hbm>>
    tpu.wait_dma2 semaphore(%arg12 : memref<!tpu.dma_semaphore, #tpu.memory_space<semaphore_mem>>) src(%arg8 : memref<24x768xf32, #tpu.memory_space<vmem>>) dst(%dma_wait3A_29 : memref<24x768xf32, #tpu.memory_space<hbm>>)
    %add3A_30 = arith.constant 47 : i32
    %add3A_31 = arith.addi %mul3A_2, %add3A_30 : i32
    %dma_wait3A_32 = arith.constant 0 : i32
    %dma_wait3A_33 = arith.constant 0 : i32
    %dma_wait3A_34 = tpu.memref_slice %arg4[%add3A_31, %dma_wait3A_32, %dma_wait3A_33] : memref<1536x24x768xf32, #tpu.memory_space<hbm>> -> memref<1x24x768xf32, #tpu.memory_space<hbm>>
    %dma_wait3A_35 = tpu.memref_squeeze %dma_wait3A_34 : memref<1x24x768xf32, #tpu.memory_space<hbm>> -> memref<24x768xf32, #tpu.memory_space<hbm>>
    %dma_wait3A_36 = arith.constant 0 : i32
    %dma_wait3A_37 = arith.constant 0 : i32
    %dma_wait3A_38 = tpu.memref_slice %arg4[%add3A_31, %dma_wait3A_36, %dma_wait3A_37] : memref<1536x24x768xf32, #tpu.memory_space<hbm>> -> memref<1x24x768xf32, #tpu.memory_space<hbm>>
    %dma_wait3A_39 = tpu.memref_squeeze %dma_wait3A_38 : memref<1x24x768xf32, #tpu.memory_space<hbm>> -> memref<24x768xf32, #tpu.memory_space<hbm>>
    tpu.wait_dma2 semaphore(%arg13 : memref<!tpu.dma_semaphore, #tpu.memory_space<semaphore_mem>>) src(%arg9 : memref<24x768xf32, #tpu.memory_space<vmem>>) dst(%dma_wait3A_39 : memref<24x768xf32, #tpu.memory_space<hbm>>)
    return
  }
}

</mosaic_0001>

<sc_bundles>
// kernel: kernel.3.cloned.1.call-start
scs
__scs_entry_jumppad:
0x0: {  	(pc) =	sbr.rel $0x88, $3  }
0x1: {  	(tag) =	ssettag $0x0;
	lr =	simm.s32 $0x1  }
0x2: {  	[smem:$0x3F9F] =	sst lr;
	_ =	strace $0xD0000000  }
0x3: {  	_ = 	snop  }
0x4: {  	_ = 	snop  }
0x5: {  	_ = 	snop  }
0x6: {  	_ = 	snop  }
0x7: {  	_ = 	snop  }
__scs_overlays_trampoline_lowered:
0x8: {  	[smem:$0x3FAE] =	sst s0  }
0x9: {  	[smem:$0x3FAF] =	sst s1  }
0xa: {  	[smem:$0x3FB0] =	sst s2  }
0xb: {  	[smem:$0x3FB1] =	sst s3  }
0xc: {  	[smem:$0x3FB2] =	sst s4  }
0xd: {  	[smem:$0x3FB3] =	sst s5  }
0xe: {  	[smem:$0x3FB4] =	sst s6  }
0xf: {  	[smem:$0x3FB5] =	sst s7  }
0x10: {  	[smem:$0x3FB6] =	sst s8  }
0x11: {  	[smem:$0x3FB7] =	sst s9;
	s0 =	simm.s32 @!p0 $0x0  }
0x12: {  	s1 =	sld [smem:$0x3F9D];
	s0 =	simm.s32 @p0 $0x1  }
0x13: {  	[smem:$0x3FB8] =	sst s0;
	s0 =	simm.s32 @!p1 $0x0  }
0x14: {  	s2 =	sld [smem:$0x3F9C];
	s0 =	simm.s32 @p1 $0x1  }
0x15: {  	[smem:$0x3FB9] =	sst s0;
	s0 =	simm.s32 @!p2 $0x0  }
0x16: {  	s3 =	sld [smem:$0x3FDB];
	s0 =	simm.s32 @p2 $0x1  }
0x17: {  	s4 =	simm.s32 $0x1BF5;
	[smem:$0x3FBB] =	sst s0  }
0x18: {  	s0 =	sld [smem:$0x3F9E];
	_ =	swait.ge [sflag:s4], $0x0  }
0x19: {  	s7 =	sld [smem:$0x3F9F]  }
0x1a: {  	s8 =	sadd.s32 $0xFFFFE003, lr  }
0x1b: {  	s9 =	sadd.s32 $0xFFFFFEF7, lr;
	s5 =	simm.s32 $0xFFFFFFFF;
	p2 =	slt.u32 s8, $0xFFFFF086  }
0x1c: {  	p1 =	slt.u32 s9, $0xF7A;
	s5 =	simm.s32 @!p2 $0x0  }
0x1d: {  	s5 =	simm.s32 @p1 $0x1;
	p0 =	seq.s32 s7, s2  }
0x1e: {  	s7 =	smul.u32 @!p0 $0xF7A, s2;
	p2 =	seq.s32 @!p0 s5, $0x0  }
0x1f: {  	s9 =	smul.u32 $0xF7A, s1;
	s8 =	simm.s32 @!p0 $0x1BF5;
	p2 =	por !p2, p0  }
0x20: {  	[sflag:s8] =	ssyncset.s32 @!p0 $0xFFFFF086;
	s6 =	sadd.s32 @!p0 s3, s7;
	s7 =	simm.s32 @!p0 $0x108  }
0x21: {  	s3 =	sadd.s32 s3, s9;
	s6 =	sadd.s32 @!p0 $0x88, s6;
	s7 =	simm.s32 @p2 $0x1082  }
0x22: {  	[simem:s7], [sflag:s8] =	dma.local @!p0 [hbm:s6], $0xF7A  }
0x23: {  	s9 =	sor.u32 $0xD0000000, s2;
	s6 =	simm.s32 $0x108;
	_ =	swait.ge @!p0 [sflag:s8], $0x0  }
0x24: {  	s3 =	sadd.s32 $0x88, s3;
	s6 =	simm.s32 @!p1 $0x1082;
	[sflag:s4] =	ssyncset.s32 $0xFFFFF086  }
0x25: {  	[simem:s6], [sflag:s4] =	dma.local [hbm:s3], $0xF7A  }
0x26: {  	[smem:$0x3F9F] =	sst s1;
	(tag) =	ssettag s2;
	_ =	strace s9  }
0x27: {  	s1 =	sld [smem:$0x3FAF]  }
0x28: {  	s2 =	sld [smem:$0x3FB0]  }
0x29: {  	s4 =	sld [smem:$0x3FB2]  }
0x2a: {  	p0 =	seq.s32 s5, $0x0;
	s5 =	sld [smem:$0x3FB3]  }
0x2b: {  	s6 =	sld [smem:$0x3FB4]  }
0x2c: {  	s7 =	sld [smem:$0x3FB5]  }
0x2d: {  	s3 =	simm.s32 $0x108;
	s8 =	sld [smem:$0x3FB6]  }
0x2e: {  	s3 =	simm.s32 @!p0 $0x1082;
	s9 =	sld [smem:$0x3FB7]  }
0x2f: {  	lr =	sadd.s32 s0, s3;
	s0 =	sld [smem:$0x3FAE]  }
0x30: {  	s3 =	sld [smem:$0x3FB1]  }
0x31: {  	[smem:$0x3FBA] =	sst s10  }
0x32: {  	s10 =	sld [smem:$0x3FB8];
	_ =	sdelay $0x3  }
0x33: {  	p0 =	seq.s32 s10, $0x1;
	s10 =	sld [smem:$0x3FBA];
	_ =	sdelay $0x3  }
0x34: {  	[smem:$0x3FBA] =	sst s10  }
0x35: {  	s10 =	sld [smem:$0x3FB9];
	_ =	sdelay $0x3  }
0x36: {  	p1 =	seq.s32 s10, $0x1;
	s10 =	sld [smem:$0x3FBA];
	_ =	sdelay $0x3  }
0x37: {  	[smem:$0x3FBA] =	sst s10  }
0x38: {  	s10 =	sld [smem:$0x3FBB]  }
0x39: {  	_ = 	snop;
	(pc) =	sbr.ind lr, $3  }
0x3a: {  	_ = 	snop  }
0x3b: {  	_ = 	snop  }
0x3c: {  	p2 =	seq.s32 s10, $0x1;
	s10 =	sld [smem:$0x3FBA]  }
0x3d: {  	_ =	shalt  }
0x3e: {  	_ =	shalt  }
0x3f: {  	_ =	shalt  }
0x40: {  	_ =	shalt  }
0x41: {  	_ =	shalt  }
0x42: {  	_ =	shalt  }
0x43: {  	_ =	shalt  }
0x44: {  	_ =	shalt  }
0x45: {  	_ =	shalt  }
0x46: {  	_ =	shalt  }
0x47: {  	_ =	shalt  }
0x48: {  	_ =	shalt  }
0x49: {  	_ =	shalt  }
0x4a: {  	_ =	shalt  }
0x4b: {  	_ =	shalt  }
0x4c: {  	_ =	shalt  }
0x4d: {  	_ =	shalt  }
0x4e: {  	_ =	shalt  }
0x4f: {  	_ =	shalt  }
0x50: {  	_ =	shalt  }
0x51: {  	_ =	shalt  }
0x52: {  	_ =	shalt  }
0x53: {  	_ =	shalt  }
0x54: {  	_ =	shalt  }
0x55: {  	_ =	shalt  }
0x56: {  	_ =	shalt  }
0x57: {  	_ =	shalt  }
0x58: {  	_ =	shalt  }
0x59: {  	_ =	shalt  }
0x5a: {  	_ =	shalt  }
0x5b: {  	_ =	shalt  }
0x5c: {  	_ =	shalt  }
0x5d: {  	_ =	shalt  }
0x5e: {  	_ =	shalt  }
0x5f: {  	_ =	shalt  }
0x60: {  	_ =	shalt  }
0x61: {  	_ =	shalt  }
0x62: {  	_ =	shalt  }
0x63: {  	_ =	shalt  }
0x64: {  	_ =	shalt  }
0x65: {  	_ =	shalt  }
0x66: {  	_ =	shalt  }
0x67: {  	_ =	shalt  }
0x68: {  	_ =	shalt  }
0x69: {  	_ =	shalt  }
0x6a: {  	_ =	shalt  }
0x6b: {  	_ =	shalt  }
0x6c: {  	_ =	shalt  }
0x6d: {  	_ =	shalt  }
0x6e: {  	_ =	shalt  }
0x6f: {  	_ =	shalt  }
0x70: {  	_ =	shalt  }
0x71: {  	_ =	shalt  }
0x72: {  	_ =	shalt  }
0x73: {  	_ =	shalt  }
0x74: {  	_ =	shalt  }
0x75: {  	_ =	shalt  }
0x76: {  	_ =	shalt  }
0x77: {  	_ =	shalt  }
0x78: {  	_ =	shalt  }
0x79: {  	_ =	shalt  }
0x7a: {  	_ =	shalt  }
0x7b: {  	_ =	shalt  }
0x7c: {  	_ =	shalt  }
0x7d: {  	_ =	shalt  }
0x7e: {  	_ =	shalt  }
0x7f: {  	_ =	shalt  }
0x80: {  	_ =	shalt  }
0x81: {  	_ =	shalt  }
0x82: {  	_ =	shalt  }
0x83: {  	_ =	shalt  }
0x84: {  	_ =	shalt  }
0x85: {  	_ =	shalt  }
0x86: {  	_ =	shalt  }
0x87: {  	_ =	shalt  }
.Lfunc_end0:
.L_simem_size_0:
called_computation_lowered:
.L_overlay_start_0:
0x88: {  	s2 =	sld [smem:$0x3FD9]  }
0x89: {  	s3 =	sld [smem:$0x3FFE];
	_ =	sdelay $0x1  }
0x8a: {  	s1 =	srdreg.scid  }
0x8b: {  	s0 =	sand.u32 $0x1, s1  }
0x8c: {  	s17 =	sshll.u32 s0, $0xA;
	s2 =	sadd.s32 s3, s2  }
0x8d: {  	s2 =	sadd.s32 s2, s17  }
0x8e: {  	[smem:$0x3FC6] =	sst s2  }
0x8f: {  	_ = 	snop  }
0x90: {  	s2 =	sld [smem:$0x3FC9]  }
0x91: {  	s18 =	sld [smem:$0x3FD0];
	(tm) =	ssettm $0x1  }
0x92: {  	s4 =	sld [smem:$0x3FFB];
	_ =	sdelay $0x3  }
0x93: {  	_ =	strace s4  }
0x94: {  	s4 =	sld [smem:$0x3FFC];
	_ =	sdelay $0x3  }
0x95: {  	_ =	strace s4  }
0x96: {  	s4 =	sld [smem:$0x3FFD];
	_ =	sdelay $0x3  }
0x97: {  	_ =	strace s4  }
0x98: {  	_ =	strace $0x8FFFFFFF  }
0x99: {  	s19 =	sld [smem:$0x3FDB];
	_ =	sdelay $0x1  }
0x9a: {  	s5 =	simm.s32 $_scs_section_size  }
0x9b: {  	s6 =	simm.s32 $_size__tile_overlayer_lowered;
	s7 =	simm.s32 $_tile_overlayer_lowered  }
0x9c: {  	s22 =	simm.s32 $0x1BFF;
	s21 =	sshll.u32 s7, $0x1;
	s4 =	sadd.s32 s5, s19  }
0x9d: {  	s8 =	simm.s32 $0x0;
	s20 =	sshll.u32 s6, $0x1;
	s6 =	sadd.s32 s21, s4  }
0x9e: {  	[timem:s8], [sflag:s22] =	dma.local [hbm:s6], s20  }
0x9f: {  	_ =	swait.ge [sflag:s22], s20  }
0xa0: {  	s5 =	ssub.s32 $0x0, s20;
	[sflag:s22] =	ssyncset.done $0x0  }
0xa1: {  	[sflag:s22] =	ssyncadd.s32 s5;
	_ =	sdelay $0x1  }
0xa2: {  	s23 =	simm.s32 $0x1B8B  }
0xa3: {  	_ =	swait.ge [sflag:s23], $0x1  }
0xa4: {  	[sflag:s23] =	ssyncset.done $0x0  }
0xa5: {  	s25 =	simm.s32 $0x1B8E;
	s24 =	sld [smem:$0x3FFE];
	[sflag:s23] =	ssyncadd.s32 $0xFFFFFFFF  }
0xa6: {  	s26 =	simm.s32 $execute0_lowered;
	[smem:$0x3FD2] =	sst s25  }
0xa7: {  	s6 =	sshll.u32 s26, $0x1;
	_ =	strace $0x80000046;
	[dreg:$0x1] =	wrdreg $0xFFFFFFFF  }
0xa8: {  	s28 =	simm.s32 $_size_execute0_lowered;
	s4 =	sadd.s32 s4, s6;
	[dreg:$0x0] =	wrdreg $0x0  }
0xa9: {  	s6 =	sshll.u32 s28, $0x1;
	[dreg:$0x2] =	wrdreg s4  }
0xaa: {  	[dreg:$0x3] =	wrdreg s6  }
0xab: {  	[dreg:$0x4] =	wrdreg $0xC0  }
0xac: {  	_ =	task [dreg:s8], $0x5FFFF  }
0xad: {  	[dreg:$0x1] =	wrdreg $0xFFFFFFFF  }
0xae: {  	[dreg:$0x0] =	wrdreg $0x60  }
0xaf: {  	[dreg:$0x2] =	wrdreg s2  }
0xb0: {  	[dreg:$0x3] =	wrdreg s24  }
0xb1: {  	[dreg:$0x4] =	wrdreg s18  }
0xb2: {  	[dreg:$0x5] =	wrdreg $0x9  }
0xb3: {  	_ =	task.clear_ibuf [dreg:s8], $0x6FFFF;
	_ =	strace $0x90000046  }
0xb4: {  	s29 =	simm.s32 $0x9;
	_ =	strace $0x80000048  }
0xb5: {  	_ =	swait.ge [sflag:s29], $0x1  }
0xb6: {  	[sflag:s29] =	ssyncadd.s32 $0xFFFFFFFF  }
0xb7: {  	_ =	strace $0x90000048  }
0xb8: {  	_ =	sfence  }
0xb9: {  	s30 =	sld [smem:$0x0];
	_ =	sdelay $0x2  }
0xba: {  	s31 =	sshll.u32 s1, $0xD;
	s1 =	sshrl.u32 s1, $0x2  }
0xbb: {  	s3 =	sand.u32 $0x4000, s31;
	s1 =	sadd.s32 s1, s30  }
0xbc: {  	s0 =	sor.u32 s3, s0;
	s1 =	sshll.u32 s1, $0x11  }
0xbd: {  	s0 =	sor.u32 s1, s0  }
0xbe: {  	s0 =	sadd.s32 $0x8F2B, s0  }
0xbf: {  	[sflag:s0] =	ssyncadd.remote.s32 $0x1  }
0xc0: {  	_ =	sfence.sel $0xFFFF  }
0xc1: {  	[dreg:$0x0] =	wrdreg $0xFFFFFFFF;
	(pc) =	sbr.abs _section_cstart, $3  }
0xc2: {  	[dreg:$0x1] =	wrdreg $0xFFFFFFFF  }
0xc3: {  	_ =	task.clear_ibuf [dreg:s8], $0x2FFFF;
	_ =	strace $0x9FFFFFFF  }
0xc4: {  	(tm) =	ssettm $0x7FFFFFFF  }
0xc5: {  	_ =	shalt  }
tec
execute0_lowered:
.L_overlay_start_1:
0x0: {  	(tag) =	ssettag $0x1  }
0x1: {  	s0 =	srdreg.scid;
	s1 =	stileid.u32  }
0x2: {  	s3 =	rddreg [dreg:$0x0];
	s0 =	sand.u32 $0x1, s0;
	s4 =	sshll.u32 s1, $0x1  }
0x3: {  	s2 =	rddreg [dreg:$0x1];
	s6 =	sor.u32 s0, s4  }
0x4: {  	s16 =	rddreg [dreg:$0x2];
	s4 =	simm.s32 $0x0;
	s28 =	smul.u32 $0x30, s6  }
0x5: {  	s2 =	sadd.s32 $0x400, s2;
	[smem:$0x7FF] =	sst s4;
	s6 =	smul.u32 $0x1B000, s6  }
0x6: {  	_ =	strace $0x80000047;
	[dreg:$0x5] =	wrdreg s2  }
0x7: {  	s0 =	ssub.s32 $0x2, s0;
	s30 =	sadd.s32 s3, s6;
	[dreg:$0x4] =	wrdreg s28  }
0x8: {  	s29 =	sshrl.u32 s0, $0x1;
	s31 =	sor.u32 $0x1, s28;
	[dreg:$0x6] =	wrdreg s30  }
0x9: {  	s0 =	ssub.s32 s0, s29;
	s1 =	sor.u32 $0x2, s28;
	[dreg:$0x7] =	wrdreg s31  }
0xa: {  	v0 =	vlaneseq.u32;
	s0 =	smax.u32 s0, $0x1;
	[dreg:$0x8] =	wrdreg s1  }
0xb: {  	v0 =	vmul.u32 $0x33, v0;
	s2 =	simm.s32 $0x0;
	[dreg:$0x9] =	wrdreg s0  }
.LBB2_1:
0xc: {  	[dreg:$0xa] =	wrdreg s2  }
0xd: {  	s0 =	rddreg [dreg:$0x5];
	s30 =	simm.s32 $0x5  }
0xe: {  	[tilespmem:s4], [sflag:$0x5] =	stream.linear.gather [hbm4b:s0+s4], $0x9900, $0x38;
	[tilespmem:$0x1B900] =	vst v63  }
0xf: {  	_ =	swait.ge [sflag:s30], $0x9900  }
0x10: {  	s1 =	simm.s32 $0x9900;
	[sflag:s30] =	ssyncset.done $0x0  }
0x11: {  	s21 =	simm.s32 $0x0;
	s31 =	rddreg [dreg:$0x6];
	[sflag:s30] =	ssyncadd.s32 $0xFFFF6700  }
0x12: {  	[tilespmem:s1], [sflag:$0x1] =	stream.linear.gather [hbm4b:s31+s4], $0x4800, $0x38;
	[tilespmem:$0x1B900] =	vst v63  }
.LBB2_2:
0x13: {  	s23 =	sshll.u32 s21, $0x1;
	s0 =	rddreg [dreg:$0x7]  }
0x14: {  	s0 =	sadd.s32 s23, s0  }
0x15: {  	s22 =	smul.u32 $0x900, s0  }
0x16: {  	s29 =	rddreg [dreg:$0x0]  }
0x17: {  	s1 =	simm.s32 $0xE100;
	s30 =	simm.s32 $0x1;
	s0 =	sadd.s32 s29, s22  }
0x18: {  	[tilespmem:s1], [sflag:$0x2] =	stream.linear.gather [hbm4b:s0+s4], $0x4800, $0x38;
	[tilespmem:$0x1B900] =	vst v63  }
0x19: {  	_ =	swait.ge [sflag:s30], $0x4800  }
0x1a: {  	p0 =	seq.s32 s21, $0x0;
	[sflag:s30] =	ssyncset.done $0x0  }
0x1b: {  	s0 =	simm.s32 @!p0 $0x3;
	[sflag:s30] =	ssyncadd.s32 $0xFFFFB800  }
0x1c: {  	_ =	swait.ge @!p0 [sflag:s0], $0x4800  }
0x1d: {  	[sflag:s0] =	ssyncset.done @!p0 $0x0;
	s31 =	rddreg [dreg:$0x4]  }
0x1e: {  	s25 =	simm.s32 $0x0;
	s24 =	sadd.s32 s31, s23;
	[sflag:s0] =	ssyncadd.s32 @!p0 $0xFFFFB800  }
.LBB2_3:
0x1f: {  	s0 =	sshrl.u32 s25, $0x3;
	s2 =	sshll.u32 s25, $0x7;
	s18 =	simm.s32 $0x0  }
0x20: {  	s19 =	simm.s32 $0x0;
	s6 =	simm.s32 $0x180;
	s7 =	simm.s32 $0x30  }
0x21: {  	s29 =	smul.u32 $0x1800, s0;
	s30 =	sand.u32 $0x380, s2;
	s0 =	sand.u32 $0x60, s18  }
0x22: {  	s2 =	sand.u32 $0x1C00, s19;
	s6 =	sand.u32 $0x3C00, s6;
	s7 =	sand.u32 $0x70, s7  }
0x23: {  	s0 =	sor.u32 s0, s30;
	s2 =	sadd.s32 s29, s2;
	s6 =	sadd.s32 s29, s6  }
0x24: {  	s3 =	simm.s32 $0x100;
	s31 =	sor.u32 s2, s0;
	s20 =	sor.u32 s7, s6  }
0x25: {  	s10 =	simm.s32 $0x20;
	s7 =	sand.u32 $0x3C00, s3;
	v1 =	vld [tilespmem:s31+$0x9900];
	s9 =	sor.u32 s30, s20  }
0x26: {  	s26 =	simm.s32 $0x280;
	s10 =	sand.u32 $0x60, s10;
	s7 =	sadd.s32 s29, s7;
	v2 =	vld [tilespmem:s9+$0x9900]  }
0x27: {  	s1 =	simm.s32 $0x50;
	s0 =	sand.u32 $0x3C00, s26;
	s5 =	sor.u32 s10, s7  }
0x28: {  	s6 =	sand.u32 $0x70, s1;
	s0 =	sadd.s32 s29, s0;
	s15 =	sor.u32 s30, s5  }
0x29: {  	s0 =	sor.u32 s6, s0;
	s6 =	simm.s32 $0x10;
	v4 =	vld [tilespmem:s15+$0x9900]  }
0x2a: {  	s26 =	sor.u32 s30, s0;
	s0 =	sand.u32 $0x70, s6;
	v1 =	vmax.f32 v1, $-2.500000000e+00  }
0x2b: {  	v3 =	vld [tilespmem:s26+$0x9900];
	s0 =	sor.u32 s0, s30;
	v1 =	vmin.f32 v1, $2.400000100e+00;
	v2 =	vmax.f32 v2, $-2.500000000e+00  }
0x2c: {  	s7 =	simm.s32 $0x200;
	s28 =	sor.u32 s2, s0;
	v1 =	vmul.f32 $1.000000000e+01, v1;
	v2 =	vmin.f32 v2, $2.400000100e+00  }
0x2d: {  	s8 =	simm.s32 $0x40;
	s6 =	sand.u32 $0x3C00, s7;
	v6 =	vld [tilespmem:s28+$0x9900];
	v2 =	vmul.f32 $1.000000000e+01, v2  }
0x2e: {  	s10 =	sand.u32 $0x60, s8;
	s11 =	sadd.s32 s29, s6;
	v4 =	vmax.f32 v4, $-2.500000000e+00;
	v1 =	vadd.f32 $2.500000000e+01, v1  }
0x2f: {  	s0 =	sor.u32 s10, s11;
	v4 =	vmin.f32 v4, $2.400000100e+00;
	v2 =	vadd.f32 $2.500000000e+01, v2  }
0x30: {  	s11 =	sor.u32 s30, s0;
	v3 =	vmax.f32 v3, $-2.500000000e+00;
	v4 =	vmul.f32 $1.000000000e+01, v4;
	v5 =	vtrunc.f32 v1  }
0x31: {  	v9 =	vld [tilespmem:s11+$0x9900];
	v3 =	vmin.f32 v3, $2.400000100e+00;
	v5 =	vcvt.f32.s32 v5;
	v7 =	vtrunc.f32 v2  }
0x32: {  	s12 =	simm.s32 $0x0;
	v3 =	vmul.f32 $1.000000000e+01, v3;
	v6 =	vmax.f32 v6, $-2.500000000e+00;
	v7 =	vcvt.f32.s32 v7  }
0x33: {  	s13 =	simm.s32 $0x990;
	v6 =	vmin.f32 v6, $2.400000100e+00;
	v4 =	vadd.f32 $2.500000000e+01, v4;
	v8 =	vadd.s32 s12, v5  }
0x34: {  	v6 =	vmul.f32 $1.000000000e+01, v6;
	v8 =	vadd.s32 v0, v8;
	v10 =	vadd.s32 s13, v7  }
0x35: {  	s19 =	simm.s32 $0x480;
	v5 =	vcvt.s32.f32 v5;
	v11 =	vtrunc.f32 v4;
	v10 =	vadd.s32 v0, v10  }
0x36: {  	s14 =	simm.s32 $0x660;
	s17 =	simm.s32 $0x580;
	s19 =	sand.u32 $0x3C00, s19;
	v9 =	vmax.f32 v9, $-2.500000000e+00;
	v6 =	vadd.f32 $2.500000000e+01, v6;
	v11 =	vcvt.f32.s32 v11  }
0x37: {  	s19 =	sadd.s32 s29, s19;
	s1 =	simm.s32 $0x60;
	s8 =	sand.u32 $0x3C00, s17;
	v7 =	vcvt.s32.f32 v7;
	v1 =	vsub.f32 v1, v5;
	v5 =	vmin.f32 v9, $2.400000100e+00  }
0x38: {  	s20 =	simm.s32 $0xB0;
	s7 =	sand.u32 $0x60, s1;
	s1 =	sadd.s32 s29, s8;
	v3 =	vadd.f32 $2.500000000e+01, v3;
	v5 =	vmul.f32 $1.000000000e+01, v5  }
0x39: {  	s6 =	sand.u32 $0x70, s20;
	s20 =	simm.s32 $0x90;
	s12 =	simm.s32 $0x300;
	v12 =	vtrunc.f32 v6;
	v2 =	vsub.f32 v2, v7;
	v7 =	vcvt.s32.f32 v11;
	v8 =	vld.idx.msk [tilespmem:v8+s4+$0x0], $0xffff  }
0x3a: {  	s5 =	sand.u32 $0x70, s20;
	s6 =	sor.u32 s6, s1;
	s12 =	sand.u32 $0x1C00, s12;
	v5 =	vadd.f32 $2.500000000e+01, v5;
	v9 =	vld.idx.msk [tilespmem:v10+s4+$0x0], $0xffff;
	v10 =	vadd.s32 s14, v11;
	v11 =	vtrunc.f32 v3  }
0x3b: {  	v14 =	vsub.f32 v4, v7;
	s14 =	sor.u32 s5, s19;
	s19 =	sor.u32 s7, s30;
	s7 =	sor.u32 s30, s6;
	v7 =	vcvt.f32.s32 v11;
	v11 =	vcvt.f32.s32 v12  }
0x3c: {  	s10 =	simm.s32 $0xFF0;
	s12 =	sadd.s32 s29, s12;
	s5 =	simm.s32 $0x330;
	v10 =	vadd.s32 v0, v10;
	v18 =	vld [tilespmem:s7+$0x9900]  }
0x3d: {  	s0 =	sor.u32 s12, s19;
	v12 =	vtrunc.f32 v5;
	v17 =	vadd.s32 s5, v11;
	v19 =	vadd.s32 s10, v7  }
0x3e: {  	s18 =	simm.s32 $0x400;
	s2 =	sor.u32 s30, s14;
	v15 =	vld [tilespmem:s0+$0x9900];
	v7 =	vcvt.s32.f32 v7;
	v13 =	vshll.u32 v8, $0x10;
	v8 =	vand.u32 $0xFFFF0000, v8  }
0x3f: {  	s3 =	sand.u32 $0x3C00, s18;
	v4 =	vsub.f32 v8, v13;
	v8 =	vld [tilespmem:s2+$0x9900];
	v16 =	vshll.u32 v9, $0x10;
	v9 =	vand.u32 $0xFFFF0000, v9  }
0x40: {  	s17 =	sadd.s32 s29, s3;
	s3 =	simm.s32 $0x80;
	v12 =	vcvt.f32.s32 v12;
	v17 =	vadd.s32 v0, v17;
	v9 =	vsub.f32 v9, v16  }
0x41: {  	s8 =	simm.s32 $0xCC0;
	s19 =	sand.u32 $0x60, s3;
	v3 =	vsub.f32 v3, v7;
	v7 =	vcvt.s32.f32 v11;
	v11 =	vmax.f32 v18, $-2.500000000e+00  }
0x42: {  	s18 =	sor.u32 s19, s17;
	v10 =	vld.idx.msk [tilespmem:v10+s4+$0x0], $0xffff;
	v1 =	vmul.f32 v1, v4;
	v4 =	vadd.s32 s8, v12;
	v2 =	vmul.f32 v2, v9  }
0x43: {  	s13 =	simm.s32 $0x70;
	s10 =	sor.u32 s30, s18;
	v19 =	vadd.s32 v0, v19;
	v11 =	vmin.f32 v11, $2.400000100e+00;
	v21 =	vadd.s32 v0, v4  }
0x44: {  	s13 =	sand.u32 $0x70, s13;
	v9 =	vld [tilespmem:s10+$0x9900];
	v4 =	vmax.f32 v15, $-2.500000000e+00;
	v15 =	vadd.f32 v16, v2;
	v2 =	vmax.f32 v8, $-2.500000000e+00  }
0x45: {  	s13 =	sor.u32 s13, s30;
	v4 =	vmin.f32 v4, $2.400000100e+00;
	v8 =	vcvt.s32.f32 v12;
	v2 =	vmin.f32 v2, $2.400000100e+00  }
0x46: {  	s6 =	sor.u32 s12, s13;
	v1 =	vadd.f32 v13, v1;
	v12 =	vmul.f32 $1.000000000e+01, v4;
	v2 =	vmul.f32 $1.000000000e+01, v2  }
0x47: {  	v20 =	vld [tilespmem:s6+$0x9900];
	v4 =	vsub.f32 v6, v7;
	v16 =	vshll.u32 v10, $0x10;
	v10 =	vand.u32 $0xFFFF0000, v10  }
0x48: {  	v11 =	vmul.f32 $1.000000000e+01, v11;
	v7 =	vld.idx.msk [tilespmem:v17+s4+$0x0], $0xffff;
	v10 =	vsub.f32 v10, v16;
	v61 =	vadd.f32 $2.500000000e+01, v2  }
0x49: {  	v17 =	vadd.f32 $2.500000000e+01, v12;
	v18 =	vsub.f32 v5, v8;
	v9 =	vmax.f32 v9, $-2.500000000e+00;
	v13 =	vld.idx.msk [tilespmem:v21+s4+$0x0], $0xffff  }
0x4a: {  	v8 =	vmin.f32 v9, $2.400000100e+00;
	v10 =	vmul.f32 v14, v10;
	v9 =	vtrunc.f32 v61  }
0x4b: {  	s13 =	simm.s32 $0x500;
	v5 =	vtrunc.f32 v17;
	v14 =	vcvt.f32.s32 v9  }
0x4c: {  	s20 =	simm.s32 $0x1CB0;
	s12 =	sand.u32 $0x3C00, s13;
	s17 =	simm.s32 $0xA0;
	v6 =	vmax.f32 v20, $-2.500000000e+00;
	v5 =	vcvt.f32.s32 v5;
	v63 =	vadd.f32 v16, v10  }
0x4d: {  	s14 =	simm.s32 $0x1320;
	s12 =	sadd.s32 s29, s12;
	s19 =	sand.u32 $0x60, s17;
	v10 =	vmin.f32 v6, $2.400000100e+00;
	v62 =	vadd.s32 s20, v14;
	v14 =	vcvt.s32.f32 v14  }
0x4e: {  	s12 =	sor.u32 s19, s12;
	v12 =	vadd.s32 s14, v5;
	v5 =	vcvt.s32.f32 v5;
	v9 =	vshll.u32 v13, $0x10  }
0x4f: {  	s19 =	sor.u32 s30, s12;
	v12 =	vadd.s32 v0, v12;
	v13 =	vand.u32 $0xFFFF0000, v13;
	v6 =	vsub.f32 v61, v14;
	v14 =	vld.idx.msk [tilespmem:v19+s4+$0x0], $0xffff  }
0x50: {  	v22 =	vsub.f32 v13, v9;
	v5 =	vsub.f32 v17, v5;
	v17 =	vld [tilespmem:s19+$0x9900]  }
0x51: {  	v2 =	vadd.f32 $2.500000000e+01, v11;
	v11 =	vmul.f32 $1.000000000e+01, v8  }
0x52: {  	s13 =	simm.s32 $0x110;
	s18 =	simm.s32 $0x1980;
	[tilespmem:s9+$0x12900] =	vst v15;
	v8 =	vand.u32 $0xFFFF0000, v7;
	v13 =	vadd.s32 v0, v62;
	v15 =	vmul.f32 v18, v22  }
0x53: {  	s12 =	simm.s32 $0x6;
	s9 =	simm.s32 $0x880;
	v16 =	vmul.f32 $1.000000000e+01, v10;
	v10 =	vadd.f32 $2.500000000e+01, v11;
	v11 =	vtrunc.f32 v2;
	[tilespmem:s15+$0x12900] =	vst v63;
	s20 =	simm.s32 $0x2310  }
.LBB2_4:
0x54: {  	s15 =	sadd.s32 $0xFFFFFFB0, s13;
	s1 =	sadd.s32 $0xFFFFFD80, s9;
	s3 =	sadd.s32 $0xFFFFFFC0, s13;
	v12 =	vld.idx.msk [tilespmem:v12+s4+$0x0], $0xffff;
	v7 =	vshll.u32 v7, $0x10;
	v9 =	vadd.f32 v9, v15;
	v15 =	vand.u32 $0xFFFF0000, v14  }
0x55: {  	s5 =	sadd.s32 $0xFFFFFE80, s9;
	s8 =	sadd.s32 $0xFFFFFF00, s9;
	s17 =	sand.u32 $0x70, s13;
	v14 =	vshll.u32 v14, $0x10;
	v18 =	vtrunc.f32 v10;
	v17 =	vmax.f32 v17, $-2.500000000e+00  }
0x56: {  	s14 =	sadd.s32 $0xFFFFFFE0, s13;
	s15 =	sand.u32 $0x60, s15;
	s1 =	sand.u32 $0x1C00, s1;
	v18 =	vcvt.f32.s32 v18;
	v17 =	vmin.f32 v17, $2.400000100e+00;
	[tilespmem:s11+$0x12900] =	vst v9;
	v9 =	vsub.f32 v15, v14  }
0x57: {  	s5 =	sand.u32 $0x3C00, s5;
	s8 =	sand.u32 $0x3C00, s8;
	s11 =	sand.u32 $0x3C00, s9;
	v15 =	vadd.f32 $2.500000000e+01, v16;
	v13 =	vld.idx.msk [tilespmem:v13+s4+$0x0], $0xffff;
	v16 =	vmul.f32 $1.000000000e+01, v17;
	[tilespmem:s31+$0x12900] =	vst v1;
	v1 =	vsub.f32 v8, v7  }
0x58: {  	s1 =	sadd.s32 s29, s1;
	s5 =	sadd.s32 s29, s5;
	s11 =	sadd.s32 s29, s11;
	v8 =	vadd.s32 s18, v18;
	v17 =	vcvt.s32.f32 v18;
	v3 =	vmul.f32 v3, v9  }
0x59: {  	s14 =	sand.u32 $0x70, s14;
	s8 =	sadd.s32 s29, s8;
	s18 =	sadd.s32 $0xFFFFFFD0, s13;
	v9 =	vtrunc.f32 v15;
	v8 =	vadd.s32 v0, v8;
	v16 =	vadd.f32 $2.500000000e+01, v16  }
0x5a: {  	s3 =	sand.u32 $0x70, s3;
	s8 =	sor.u32 s14, s8;
	s31 =	sand.u32 $0x60, s18;
	v18 =	vshll.u32 v12, $0x10;
	v12 =	vand.u32 $0xFFFF0000, v12;
	v10 =	vsub.f32 v10, v17  }
0x5b: {  	v11 =	vcvt.f32.s32 v11;
	s14 =	sor.u32 s15, s30;
	s18 =	sor.u32 s30, s8;
	s8 =	sor.u32 s17, s11;
	v1 =	vmul.f32 v4, v1;
	v12 =	vsub.f32 v12, v18  }
0x5c: {  	s3 =	sor.u32 s3, s30;
	s11 =	sor.u32 s1, s14;
	v9 =	vcvt.f32.s32 v9;
	s5 =	sor.u32 s31, s5;
	v3 =	vadd.f32 v14, v3;
	v17 =	vtrunc.f32 v16;
	v4 =	vld [tilespmem:s18+$0x9900]  }
0x5d: {  	s12 =	sadd.s32 $0x6, s12;
	s1 =	sor.u32 s1, s3;
	s3 =	sadd.s32 $0xFFFFF340, s20;
	v1 =	vadd.f32 v7, v1;
	v19 =	vshll.u32 v13, $0x10;
	v13 =	vand.u32 $0xFFFF0000, v13;
	v14 =	vld [tilespmem:s11+$0x9900]  }
0x5e: {  	p1 =	slt.u32 s12, $0x2A;
	s8 =	sor.u32 s30, s8;
	s31 =	smov.u32 s0;
	v7 =	vadd.s32 s3, v9;
	v17 =	vcvt.f32.s32 v17;
	v13 =	vsub.f32 v13, v19;
	v8 =	vld.idx.msk [tilespmem:v8+s4+$0x0], $0xffff;
	[tilespmem:s26+$0x12900] =	vst v3  }
0x5f: {  	v21 =	vadd.s32 s20, v11;
	s0 =	smov.u32 s11;
	s3 =	sor.u32 s30, s5;
	s5 =	sadd.s32 $0xFFFFFCD0, s20;
	v7 =	vadd.s32 v0, v7;
	v3 =	vcvt.s32.f32 v11;
	v20 =	vld [tilespmem:s8+$0x9900];
	[tilespmem:s28+$0x12900] =	vst v1  }
0x60: {  	s26 =	smov.u32 s7;
	v1 =	vmul.f32 v5, v12;
	v5 =	vmul.f32 v6, v13;
	v6 =	vadd.s32 s5, v17;
	s28 =	smov.u32 s6;
	s6 =	smov.u32 s1;
	v11 =	vld [tilespmem:s1+$0x9900]  }
0x61: {  	s15 =	smov.u32 s10;
	s10 =	smov.u32 s3;
	s7 =	smov.u32 s8;
	v13 =	vadd.s32 v0, v21;
	v6 =	vadd.s32 v0, v6;
	v3 =	vsub.f32 v2, v3;
	v12 =	vld [tilespmem:s3+$0x9900]  }
0x62: {  	s11 =	smov.u32 s19;
	v1 =	vadd.f32 v18, v1;
	v5 =	vadd.f32 v19, v5;
	v2 =	vmax.f32 v14, $-2.500000000e+00  }
0x63: {  	v9 =	vcvt.s32.f32 v9;
	v4 =	vmax.f32 v4, $-2.500000000e+00;
	v14 =	vcvt.s32.f32 v17  }
0x64: {  	v2 =	vmin.f32 v2, $2.400000100e+00;
	v18 =	vshll.u32 v8, $0x10;
	v17 =	vmax.f32 v20, $-2.500000000e+00;
	v7 =	vld.idx.msk [tilespmem:v7+s4+$0x0], $0xffff;
	[tilespmem:s2+$0x12900] =	vst v5;
	s2 =	smov.u32 s18  }
0x65: {  	v2 =	vmul.f32 $1.000000000e+01, v2;
	v5 =	vmin.f32 v4, $2.400000100e+00;
	v4 =	vsub.f32 v15, v9  }
0x66: {  	s20 =	sadd.s32 $0x1320, s20;
	v8 =	vand.u32 $0xFFFF0000, v8;
	v11 =	vmax.f32 v11, $-2.500000000e+00;
	v9 =	vmax.f32 v12, $-2.500000000e+00;
	v6 =	vld.idx.msk [tilespmem:v6+s4+$0x0], $0xffff  }
0x67: {  	v15 =	vadd.f32 $2.500000000e+01, v2;
	v2 =	vmul.f32 $1.000000000e+01, v5;
	v5 =	vmin.f32 v17, $2.400000100e+00  }
0x68: {  	v8 =	vsub.f32 v8, v18;
	v16 =	vsub.f32 v16, v14;
	v5 =	vmul.f32 $1.000000000e+01, v5  }
0x69: {  	s1 =	sadd.s32 $0xFFFFFF80, s9;
	v9 =	vmin.f32 v9, $2.400000100e+00;
	v12 =	vtrunc.f32 v15;
	v19 =	vadd.f32 $2.500000000e+01, v2  }
0x6a: {  	s3 =	sadd.s32 $0xFFFFFFF0, s13;
	s1 =	sand.u32 $0x3C00, s1;
	v10 =	vmul.f32 v10, v8;
	v12 =	vcvt.f32.s32 v12;
	v2 =	vadd.f32 $2.500000000e+01, v5  }
0x6b: {  	s5 =	sadd.s32 $0xFFFFF010, s20;
	s3 =	sand.u32 $0x60, s3;
	s1 =	sadd.s32 s29, s1;
	v20 =	vmul.f32 $1.000000000e+01, v9;
	v8 =	vand.u32 $0xFFFF0000, v7;
	v5 =	vtrunc.f32 v19  }
0x6c: {  	s1 =	sor.u32 s3, s1;
	v17 =	vadd.s32 s5, v12;
	v5 =	vcvt.f32.s32 v5;
	v9 =	vshll.u32 v6, $0x10;
	v14 =	vld.idx.msk [tilespmem:v13+s4+$0x0], $0xffff  }
.Ltmp0:
0x6d: {  	s3 =	sadd.s32 $0xFFFFF9A0, s20;
	s19 =	sor.u32 s30, s1;
	v6 =	vand.u32 $0xFFFF0000, v6;
	v13 =	vcvt.s32.f32 v12;
	v12 =	vadd.s32 v0, v17;
	(pc) =	sbr.rel @p1 .LBB2_4-.Ltmp0, $4  }
0x6e: {  	v23 =	vsub.f32 v6, v9;
	v21 =	vadd.s32 s3, v5;
	v22 =	vcvt.s32.f32 v5;
	v17 =	vld [tilespmem:s19+$0x9900]  }
0x6f: {  	v18 =	vadd.f32 v18, v10;
	v5 =	vsub.f32 v15, v13;
	v13 =	vadd.s32 v0, v21  }
0x70: {  	v10 =	vmin.f32 v11, $2.400000100e+00;
	v15 =	vmul.f32 v16, v23;
	v6 =	vsub.f32 v19, v22  }
0x71: {  	s9 =	sadd.s32 $0x300, s9;
	s13 =	sadd.s32 $0x60, s13;
	s18 =	sadd.s32 $0xFFFFF670, s20;
	v11 =	vtrunc.f32 v2;
	v16 =	vmul.f32 $1.000000000e+01, v10;
	v10 =	vadd.f32 $2.500000000e+01, v20;
	[tilespmem:s15+$0x12900] =	vst v18  }
0x72: {  	_ = 	snop  }
0x73: {  	v17 =	vmax.f32 v17, $-2.500000000e+00  }
0x74: {  	v17 =	vmin.f32 v17, $2.400000100e+00  }
0x75: {  	v7 =	vshll.u32 v7, $0x10;
	v11 =	vcvt.f32.s32 v11;
	v17 =	vmul.f32 $1.000000000e+01, v17  }
0x76: {  	v22 =	vand.u32 $0xFFFF0000, v14;
	v18 =	vtrunc.f32 v10;
	v16 =	vadd.f32 $2.500000000e+01, v16  }
0x77: {  	v18 =	vcvt.f32.s32 v18;
	v25 =	vadd.s32 s20, v11;
	v17 =	vadd.f32 $2.500000000e+01, v17  }
0x78: {  	v48 =	vshll.u32 v14, $0x10;
	v21 =	vtrunc.f32 v16;
	v25 =	vadd.s32 v0, v25  }
0x79: {  	v13 =	vld.idx.msk [tilespmem:v13+s4+$0x0], $0xffff;
	v20 =	vadd.s32 s18, v18;
	v21 =	vcvt.f32.s32 v21;
	v19 =	vtrunc.f32 v17  }
0x7a: {  	s30 =	sadd.s32 $0xFFFFF340, s20;
	v12 =	vld.idx.msk [tilespmem:v12+s4+$0x0], $0xffff;
	v9 =	vadd.f32 v9, v15;
	v20 =	vadd.s32 v0, v20;
	v19 =	vcvt.f32.s32 v19  }
0x7b: {  	s1 =	sadd.s32 $0xFFFFFCD0, s20;
	v22 =	vsub.f32 v22, v48;
	v8 =	vsub.f32 v8, v7;
	v24 =	vadd.s32 s30, v21  }
0x7c: {  	v49 =	vcvt.s32.f32 v11;
	v24 =	vadd.s32 v0, v24;
	v23 =	vadd.s32 s1, v19  }
0x7d: {  	v3 =	vmul.f32 v3, v22;
	v4 =	vmul.f32 v4, v8;
	v23 =	vadd.s32 v0, v23  }
0x7e: {  	v18 =	vcvt.s32.f32 v18;
	v26 =	vshll.u32 v13, $0x10;
	v13 =	vand.u32 $0xFFFF0000, v13;
	v54 =	vld.idx.msk [tilespmem:v25+s4+$0x0], $0xffff  }
0x7f: {  	v53 =	vshll.u32 v12, $0x10;
	v12 =	vand.u32 $0xFFFF0000, v12;
	v13 =	vsub.f32 v13, v26;
	v20 =	vld.idx.msk [tilespmem:v20+s4+$0x0], $0xffff  }
0x80: {  	v2 =	vsub.f32 v2, v49;
	v55 =	vcvt.s32.f32 v21;
	v12 =	vsub.f32 v12, v53  }
0x81: {  	v3 =	vadd.f32 v48, v3;
	v4 =	vadd.f32 v7, v4;
	v6 =	vmul.f32 v6, v13;
	v52 =	vld.idx.msk [tilespmem:v24+s4+$0x0], $0xffff  }
0x82: {  	v50 =	vsub.f32 v10, v18;
	v14 =	vsub.f32 v16, v55;
	v62 =	vmul.f32 v5, v12;
	v51 =	vld.idx.msk [tilespmem:v23+s4+$0x0], $0xffff  }
0x83: {  	v6 =	vadd.f32 v26, v6;
	v60 =	vand.u32 $0xFFFF0000, v54;
	v13 =	vshll.u32 v54, $0x10  }
0x84: {  	v61 =	vsub.f32 v60, v13;
	v56 =	vshll.u32 v20, $0x10;
	v57 =	vand.u32 $0xFFFF0000, v20  }
0x85: {  	[tilespmem:s28+$0x12900] =	vst v4;
	v19 =	vcvt.s32.f32 v19;
	v4 =	vadd.f32 v53, v62;
	v18 =	vsub.f32 v57, v56  }
0x86: {  	[tilespmem:s31+$0x12900] =	vst v1;
	v2 =	vmul.f32 v2, v61;
	v1 =	vand.u32 $0xFFFF0000, v52;
	v7 =	vshll.u32 v52, $0x10  }
0x87: {  	[tilespmem:s11+$0x12900] =	vst v9;
	v1 =	vsub.f32 v1, v7;
	v58 =	vshll.u32 v51, $0x10;
	v11 =	vand.u32 $0xFFFF0000, v51  }
0x88: {  	s25 =	sadd.s32 $0x1, s25;
	[tilespmem:s26+$0x12900] =	vst v3;
	v59 =	vsub.f32 v17, v19;
	v10 =	vmul.f32 v50, v18;
	v11 =	vsub.f32 v11, v58  }
0x89: {  	p1 =	sne.s32 s25, $0x18;
	[tilespmem:s2+$0x12900] =	vst v6;
	v2 =	vadd.f32 v13, v2;
	v1 =	vmul.f32 v14, v1  }
.Ltmp1:
0x8a: {  	[tilespmem:s0+$0x12900] =	vst v4;
	v63 =	vadd.f32 v56, v10;
	v3 =	vmul.f32 v59, v11;
	(pc) =	sbr.rel @p1 .LBB2_3-.Ltmp1, $4  }
0x8b: {  	[tilespmem:s7+$0x12900] =	vst v2;
	v1 =	vadd.f32 v7, v1  }
0x8c: {  	[tilespmem:s10+$0x12900] =	vst v63;
	v3 =	vadd.f32 v58, v3  }
0x8d: {  	[tilespmem:s6+$0x12900] =	vst v1  }
0x8e: {  	[tilespmem:s19+$0x12900] =	vst v3  }
0x8f: {  	p1 =	sne.s32 s21, $0x17  }
.Ltmp2:
0x90: {  	_ = 	snop;
	(pc) =	sbr.rel @p1 .LBB2_8-.Ltmp2, $3  }
0x91: {  	s0 =	smul.u32 $0x900, s24;
	_ =	sdelay $0x1  }
0x92: {  	s1 =	simm.s32 $0x12900;
	s0 =	sadd.s32 s16, s0  }
0x93: {  	[hbm4b:s0+s4] =	stream.linear.scatter [tilespmem:s1], [sflag:$0x3], $0x4800, $0x38;
	[tilespmem:$0x1B900] =	vst v63  }
.Ltmp3:
0x94: {  	(pc) =	sbr.rel .LBB2_9-.Ltmp3, $4  }
0x95: {  	s0 =	simm.s32 $0x2  }
0x96: {  	_ =	swait.ge [sflag:s0], $0x4800  }
0x97: {  	[sflag:s0] =	ssyncset.done $0x0  }
0x98: {  	[sflag:s0] =	ssyncadd.s32 $0xFFFFB800  }
.LBB2_8:
0x99: {  	s0 =	rddreg [dreg:$0x8]  }
0x9a: {  	s0 =	sadd.s32 s23, s0  }
0x9b: {  	s0 =	smul.u32 $0x900, s0  }
0x9c: {  	s1 =	rddreg [dreg:$0x0];
	s30 =	simm.s32 $0x9900  }
.Ltmp4:
0x9d: {  	s31 =	simm.s32 $0x2;
	s0 =	sadd.s32 s1, s0;
	(pc) =	sbr.rel @p0 .LBB2_10-.Ltmp4, $4  }
0x9e: {  	[tilespmem:s30], [sflag:$0x1] =	stream.linear.gather [hbm4b:s0+s4], $0x4800, $0x38;
	[tilespmem:$0x1B900] =	vst v63  }
0x9f: {  	_ =	swait.ge [sflag:s31], $0x4800  }
0xa0: {  	[sflag:s31] =	ssyncset.done $0x0  }
0xa1: {  	[sflag:s31] =	ssyncadd.s32 $0xFFFFB800  }
.LBB2_9:
0xa2: {  	s0 =	simm.s32 $0x4  }
0xa3: {  	_ =	swait.ge [sflag:s0], $0x4800  }
0xa4: {  	[sflag:s0] =	ssyncset.done $0x0  }
0xa5: {  	[sflag:s0] =	ssyncadd.s32 $0xFFFFB800  }
.LBB2_10:
0xa6: {  	s23 =	simm.s32 $0x0  }
.LBB2_11:
0xa7: {  	s0 =	sshrl.u32 s23, $0x3;
	s1 =	sshll.u32 s23, $0x7;
	s3 =	simm.s32 $0x0  }
0xa8: {  	s5 =	simm.s32 $0x0;
	s2 =	simm.s32 $0x180;
	s26 =	smul.u32 $0x1800, s0  }
0xa9: {  	s28 =	sand.u32 $0x380, s1;
	s0 =	sand.u32 $0x60, s3;
	s1 =	sand.u32 $0x1C00, s5  }
0xaa: {  	s3 =	simm.s32 $0x30;
	s2 =	sand.u32 $0x3C00, s2;
	s0 =	sor.u32 s0, s28  }
0xab: {  	s3 =	sand.u32 $0x70, s3;
	s1 =	sadd.s32 s26, s1;
	s2 =	sadd.s32 s26, s2  }
0xac: {  	s10 =	simm.s32 $0x100;
	s29 =	sor.u32 s1, s0;
	s6 =	sor.u32 s3, s2  }
0xad: {  	s5 =	simm.s32 $0x20;
	s3 =	sand.u32 $0x3C00, s10;
	v1 =	vld [tilespmem:s29+$0xE100];
	s9 =	sor.u32 s28, s6  }
0xae: {  	s7 =	simm.s32 $0x280;
	s5 =	sand.u32 $0x60, s5;
	s3 =	sadd.s32 s26, s3;
	v2 =	vld [tilespmem:s9+$0xE100]  }
0xaf: {  	s8 =	simm.s32 $0x50;
	s0 =	sand.u32 $0x3C00, s7;
	s11 =	sor.u32 s5, s3  }
0xb0: {  	s2 =	sand.u32 $0x70, s8;
	s0 =	sadd.s32 s26, s0;
	s15 =	sor.u32 s28, s11  }
0xb1: {  	s12 =	simm.s32 $0x10;
	s0 =	sor.u32 s2, s0;
	v4 =	vld [tilespmem:s15+$0xE100]  }
0xb2: {  	s24 =	sor.u32 s28, s0;
	s0 =	sand.u32 $0x70, s12;
	v1 =	vmax.f32 v1, $-2.500000000e+00  }
0xb3: {  	v3 =	vld [tilespmem:s24+$0xE100];
	s0 =	sor.u32 s0, s28;
	v1 =	vmin.f32 v1, $2.400000100e+00;
	v2 =	vmax.f32 v2, $-2.500000000e+00  }
0xb4: {  	s13 =	simm.s32 $0x200;
	s25 =	sor.u32 s1, s0;
	v1 =	vmul.f32 $1.000000000e+01, v1;
	v2 =	vmin.f32 v2, $2.400000100e+00  }
0xb5: {  	s14 =	simm.s32 $0x40;
	s2 =	sand.u32 $0x3C00, s13;
	v6 =	vld [tilespmem:s25+$0xE100];
	v2 =	vmul.f32 $1.000000000e+01, v2  }
0xb6: {  	s17 =	sand.u32 $0x60, s14;
	s18 =	sadd.s32 s26, s2;
	v4 =	vmax.f32 v4, $-2.500000000e+00;
	v1 =	vadd.f32 $2.500000000e+01, v1  }
0xb7: {  	s0 =	sor.u32 s17, s18;
	v4 =	vmin.f32 v4, $2.400000100e+00;
	v2 =	vadd.f32 $2.500000000e+01, v2  }
0xb8: {  	s11 =	sor.u32 s28, s0;
	v3 =	vmax.f32 v3, $-2.500000000e+00;
	v4 =	vmul.f32 $1.000000000e+01, v4;
	v5 =	vtrunc.f32 v1  }
0xb9: {  	v9 =	vld [tilespmem:s11+$0xE100];
	v3 =	vmin.f32 v3, $2.400000100e+00;
	v5 =	vcvt.f32.s32 v5;
	v7 =	vtrunc.f32 v2  }
0xba: {  	s19 =	simm.s32 $0x0;
	v3 =	vmul.f32 $1.000000000e+01, v3;
	v6 =	vmax.f32 v6, $-2.500000000e+00;
	v7 =	vcvt.f32.s32 v7  }
0xbb: {  	s20 =	simm.s32 $0x990;
	v6 =	vmin.f32 v6, $2.400000100e+00;
	v4 =	vadd.f32 $2.500000000e+01, v4;
	v8 =	vadd.s32 s19, v5  }
0xbc: {  	s30 =	simm.s32 $0x660;
	s31 =	simm.s32 $0x580;
	s8 =	simm.s32 $0x480;
	v6 =	vmul.f32 $1.000000000e+01, v6;
	v8 =	vadd.s32 v0, v8;
	v10 =	vadd.s32 s20, v7  }
0xbd: {  	s10 =	simm.s32 $0xFF0;
	s7 =	simm.s32 $0x400;
	s8 =	sand.u32 $0x3C00, s8;
	v5 =	vcvt.s32.f32 v5;
	v11 =	vtrunc.f32 v4;
	v10 =	vadd.s32 v0, v10  }
0xbe: {  	s3 =	simm.s32 $0xB0;
	s5 =	simm.s32 $0x60;
	s13 =	simm.s32 $0x300;
	v9 =	vmax.f32 v9, $-2.500000000e+00;
	v6 =	vadd.f32 $2.500000000e+01, v6;
	v11 =	vcvt.f32.s32 v11  }
0xbf: {  	s12 =	sand.u32 $0x70, s3;
	s14 =	sand.u32 $0x60, s5;
	s1 =	sand.u32 $0x3C00, s31;
	v7 =	vcvt.s32.f32 v7;
	v1 =	vsub.f32 v1, v5;
	v5 =	vmin.f32 v9, $2.400000100e+00  }
0xc0: {  	s17 =	sand.u32 $0x1C00, s13;
	s18 =	simm.s32 $0x90;
	s1 =	sadd.s32 s26, s1;
	v3 =	vadd.f32 $2.500000000e+01, v3;
	v5 =	vmul.f32 $1.000000000e+01, v5  }
0xc1: {  	s5 =	sand.u32 $0x70, s18;
	s1 =	sor.u32 s12, s1;
	s20 =	sadd.s32 s26, s8;
	v12 =	vtrunc.f32 v6;
	v2 =	vsub.f32 v2, v7;
	v7 =	vcvt.s32.f32 v11;
	v8 =	vld.idx.msk [tilespmem:v8+s4+$0x0], $0xffff  }
0xc2: {  	s19 =	sand.u32 $0x3C00, s7;
	s7 =	simm.s32 $0x80;
	s5 =	sor.u32 s5, s20;
	v5 =	vadd.f32 $2.500000000e+01, v5;
	v9 =	vld.idx.msk [tilespmem:v10+s4+$0x0], $0xffff;
	v10 =	vadd.s32 s30, v11;
	v11 =	vtrunc.f32 v3  }
0xc3: {  	s2 =	sor.u32 s28, s5;
	s5 =	sand.u32 $0x60, s7;
	s7 =	sor.u32 s28, s1;
	v14 =	vsub.f32 v4, v7;
	v7 =	vcvt.f32.s32 v11;
	v11 =	vcvt.f32.s32 v12  }
0xc4: {  	s31 =	sor.u32 s14, s28;
	s13 =	simm.s32 $0x330;
	s3 =	sadd.s32 s26, s17;
	v18 =	vld [tilespmem:s7+$0xE100];
	v10 =	vadd.s32 v0, v10  }
0xc5: {  	s0 =	sor.u32 s3, s31;
	v12 =	vtrunc.f32 v5;
	v17 =	vadd.s32 s13, v11;
	v19 =	vadd.s32 s10, v7  }
0xc6: {  	v15 =	vld [tilespmem:s0+$0xE100];
	v7 =	vcvt.s32.f32 v7;
	v13 =	vshll.u32 v8, $0x10;
	v8 =	vand.u32 $0xFFFF0000, v8  }
0xc7: {  	v4 =	vsub.f32 v8, v13;
	v8 =	vld [tilespmem:s2+$0xE100];
	v16 =	vshll.u32 v9, $0x10;
	v9 =	vand.u32 $0xFFFF0000, v9  }
0xc8: {  	v12 =	vcvt.f32.s32 v12;
	v17 =	vadd.s32 v0, v17;
	v9 =	vsub.f32 v9, v16  }
0xc9: {  	s17 =	simm.s32 $0xCC0;
	s30 =	sadd.s32 s26, s19;
	v3 =	vsub.f32 v3, v7;
	v7 =	vcvt.s32.f32 v11;
	v11 =	vmax.f32 v18, $-2.500000000e+00  }
0xca: {  	s14 =	sor.u32 s5, s30;
	v10 =	vld.idx.msk [tilespmem:v10+s4+$0x0], $0xffff;
	v1 =	vmul.f32 v1, v4;
	v4 =	vadd.s32 s17, v12;
	v2 =	vmul.f32 v2, v9  }
0xcb: {  	s6 =	simm.s32 $0x70;
	s10 =	sor.u32 s28, s14;
	v19 =	vadd.s32 v0, v19;
	v11 =	vmin.f32 v11, $2.400000100e+00;
	v21 =	vadd.s32 v0, v4  }
0xcc: {  	s6 =	sand.u32 $0x70, s6;
	v9 =	vld [tilespmem:s10+$0xE100];
	v4 =	vmax.f32 v15, $-2.500000000e+00;
	v15 =	vadd.f32 v16, v2;
	v2 =	vmax.f32 v8, $-2.500000000e+00  }
0xcd: {  	s6 =	sor.u32 s6, s28;
	v4 =	vmin.f32 v4, $2.400000100e+00;
	v8 =	vcvt.s32.f32 v12;
	v2 =	vmin.f32 v2, $2.400000100e+00  }
0xce: {  	s6 =	sor.u32 s3, s6;
	v1 =	vadd.f32 v13, v1;
	v12 =	vmul.f32 $1.000000000e+01, v4;
	v2 =	vmul.f32 $1.000000000e+01, v2  }
0xcf: {  	v20 =	vld [tilespmem:s6+$0xE100];
	v4 =	vsub.f32 v6, v7;
	v16 =	vshll.u32 v10, $0x10;
	v10 =	vand.u32 $0xFFFF0000, v10  }
0xd0: {  	v11 =	vmul.f32 $1.000000000e+01, v11;
	v7 =	vld.idx.msk [tilespmem:v17+s4+$0x0], $0xffff;
	v10 =	vsub.f32 v10, v16;
	v61 =	vadd.f32 $2.500000000e+01, v2  }
0xd1: {  	v17 =	vadd.f32 $2.500000000e+01, v12;
	v18 =	vsub.f32 v5, v8;
	v9 =	vmax.f32 v9, $-2.500000000e+00;
	v13 =	vld.idx.msk [tilespmem:v21+s4+$0x0], $0xffff  }
0xd2: {  	v8 =	vmin.f32 v9, $2.400000100e+00;
	v10 =	vmul.f32 v14, v10;
	v9 =	vtrunc.f32 v61  }
0xd3: {  	s18 =	simm.s32 $0x500;
	v5 =	vtrunc.f32 v17;
	v14 =	vcvt.f32.s32 v9  }
0xd4: {  	s31 =	simm.s32 $0x1CB0;
	s20 =	simm.s32 $0xA0;
	s1 =	sand.u32 $0x3C00, s18;
	v6 =	vmax.f32 v20, $-2.500000000e+00;
	v5 =	vcvt.f32.s32 v5;
	v63 =	vadd.f32 v16, v10  }
0xd5: {  	s1 =	sadd.s32 s26, s1;
	s19 =	simm.s32 $0x1320;
	s30 =	sand.u32 $0x60, s20;
	v10 =	vmin.f32 v6, $2.400000100e+00;
	v62 =	vadd.s32 s31, v14;
	v14 =	vcvt.s32.f32 v14  }
0xd6: {  	s1 =	sor.u32 s30, s1;
	v12 =	vadd.s32 s19, v5;
	v5 =	vcvt.s32.f32 v5;
	v9 =	vshll.u32 v13, $0x10  }
0xd7: {  	s19 =	sor.u32 s28, s1;
	v12 =	vadd.s32 v0, v12;
	v13 =	vand.u32 $0xFFFF0000, v13;
	v6 =	vsub.f32 v61, v14;
	v14 =	vld.idx.msk [tilespmem:v19+s4+$0x0], $0xffff  }
0xd8: {  	v22 =	vsub.f32 v13, v9;
	v5 =	vsub.f32 v17, v5;
	v17 =	vld [tilespmem:s19+$0xE100]  }
0xd9: {  	v2 =	vadd.f32 $2.500000000e+01, v11;
	v11 =	vmul.f32 $1.000000000e+01, v8  }
0xda: {  	s12 =	simm.s32 $0x6;
	s18 =	simm.s32 $0x1980;
	[tilespmem:s9+$0x17100] =	vst v15;
	v8 =	vand.u32 $0xFFFF0000, v7;
	v13 =	vadd.s32 v0, v62;
	v15 =	vmul.f32 v18, v22  }
0xdb: {  	s20 =	simm.s32 $0x2310;
	s13 =	simm.s32 $0x110;
	s9 =	simm.s32 $0x880;
	v16 =	vmul.f32 $1.000000000e+01, v10;
	v10 =	vadd.f32 $2.500000000e+01, v11;
	v11 =	vtrunc.f32 v2;
	[tilespmem:s15+$0x17100] =	vst v63  }
.LBB2_12:
0xdc: {  	s1 =	sadd.s32 $0xFFFFFFB0, s13;
	s3 =	sadd.s32 $0xFFFFFD80, s9;
	s5 =	sadd.s32 $0xFFFFFFC0, s13;
	v12 =	vld.idx.msk [tilespmem:v12+s4+$0x0], $0xffff;
	v7 =	vshll.u32 v7, $0x10;
	v9 =	vadd.f32 v9, v15;
	v15 =	vand.u32 $0xFFFF0000, v14  }
0xdd: {  	s8 =	sadd.s32 $0xFFFFFE80, s9;
	s14 =	sadd.s32 $0xFFFFFF00, s9;
	s15 =	sand.u32 $0x70, s13;
	v14 =	vshll.u32 v14, $0x10;
	v18 =	vtrunc.f32 v10;
	v17 =	vmax.f32 v17, $-2.500000000e+00  }
0xde: {  	s17 =	sadd.s32 $0xFFFFFFE0, s13;
	s1 =	sand.u32 $0x60, s1;
	s3 =	sand.u32 $0x1C00, s3;
	v18 =	vcvt.f32.s32 v18;
	v17 =	vmin.f32 v17, $2.400000100e+00;
	[tilespmem:s11+$0x17100] =	vst v9;
	v9 =	vsub.f32 v15, v14  }
0xdf: {  	s8 =	sand.u32 $0x3C00, s8;
	s11 =	sand.u32 $0x3C00, s14;
	s14 =	sand.u32 $0x3C00, s9;
	v15 =	vadd.f32 $2.500000000e+01, v16;
	v13 =	vld.idx.msk [tilespmem:v13+s4+$0x0], $0xffff;
	v16 =	vmul.f32 $1.000000000e+01, v17;
	[tilespmem:s29+$0x17100] =	vst v1;
	v1 =	vsub.f32 v8, v7  }
0xe0: {  	s3 =	sadd.s32 s26, s3;
	s8 =	sadd.s32 s26, s8;
	s14 =	sadd.s32 s26, s14;
	v8 =	vadd.s32 s18, v18;
	v17 =	vcvt.s32.f32 v18;
	v3 =	vmul.f32 v3, v9  }
0xe1: {  	s17 =	sand.u32 $0x70, s17;
	s11 =	sadd.s32 s26, s11;
	s18 =	sadd.s32 $0xFFFFFFD0, s13;
	v9 =	vtrunc.f32 v15;
	v8 =	vadd.s32 v0, v8;
	v16 =	vadd.f32 $2.500000000e+01, v16  }
0xe2: {  	s5 =	sand.u32 $0x70, s5;
	s11 =	sor.u32 s17, s11;
	s29 =	sand.u32 $0x60, s18;
	v18 =	vshll.u32 v12, $0x10;
	v12 =	vand.u32 $0xFFFF0000, v12;
	v10 =	vsub.f32 v10, v17  }
0xe3: {  	v11 =	vcvt.f32.s32 v11;
	s1 =	sor.u32 s1, s28;
	s18 =	sor.u32 s28, s11;
	s11 =	sor.u32 s15, s14;
	v1 =	vmul.f32 v4, v1;
	v12 =	vsub.f32 v12, v18  }
0xe4: {  	s5 =	sor.u32 s5, s28;
	s1 =	sor.u32 s3, s1;
	v9 =	vcvt.f32.s32 v9;
	s8 =	sor.u32 s29, s8;
	v3 =	vadd.f32 v14, v3;
	v17 =	vtrunc.f32 v16;
	v4 =	vld [tilespmem:s18+$0xE100]  }
0xe5: {  	s12 =	sadd.s32 $0x6, s12;
	s3 =	sor.u32 s3, s5;
	s5 =	sadd.s32 $0xFFFFF340, s20;
	v1 =	vadd.f32 v7, v1;
	v19 =	vshll.u32 v13, $0x10;
	v13 =	vand.u32 $0xFFFF0000, v13;
	v14 =	vld [tilespmem:s1+$0xE100]  }
0xe6: {  	p0 =	slt.u32 s12, $0x2A;
	s11 =	sor.u32 s28, s11;
	s29 =	smov.u32 s0;
	v7 =	vadd.s32 s5, v9;
	v17 =	vcvt.f32.s32 v17;
	v13 =	vsub.f32 v13, v19;
	v8 =	vld.idx.msk [tilespmem:v8+s4+$0x0], $0xffff;
	[tilespmem:s24+$0x17100] =	vst v3  }
0xe7: {  	v21 =	vadd.s32 s20, v11;
	s0 =	smov.u32 s1;
	s5 =	sor.u32 s28, s8;
	s8 =	sadd.s32 $0xFFFFFCD0, s20;
	v7 =	vadd.s32 v0, v7;
	v3 =	vcvt.s32.f32 v11;
	v20 =	vld [tilespmem:s11+$0xE100];
	[tilespmem:s25+$0x17100] =	vst v1  }
0xe8: {  	s24 =	smov.u32 s7;
	v1 =	vmul.f32 v5, v12;
	v5 =	vmul.f32 v6, v13;
	v6 =	vadd.s32 s8, v17;
	s25 =	smov.u32 s6;
	s6 =	smov.u32 s3;
	v11 =	vld [tilespmem:s3+$0xE100]  }
0xe9: {  	s15 =	smov.u32 s10;
	s10 =	smov.u32 s5;
	s7 =	smov.u32 s11;
	v13 =	vadd.s32 v0, v21;
	v6 =	vadd.s32 v0, v6;
	v3 =	vsub.f32 v2, v3;
	v12 =	vld [tilespmem:s5+$0xE100]  }
0xea: {  	s11 =	smov.u32 s19;
	v1 =	vadd.f32 v18, v1;
	v5 =	vadd.f32 v19, v5;
	v2 =	vmax.f32 v14, $-2.500000000e+00  }
0xeb: {  	v9 =	vcvt.s32.f32 v9;
	v4 =	vmax.f32 v4, $-2.500000000e+00;
	v14 =	vcvt.s32.f32 v17  }
0xec: {  	v2 =	vmin.f32 v2, $2.400000100e+00;
	v18 =	vshll.u32 v8, $0x10;
	v17 =	vmax.f32 v20, $-2.500000000e+00;
	v7 =	vld.idx.msk [tilespmem:v7+s4+$0x0], $0xffff;
	[tilespmem:s2+$0x17100] =	vst v5;
	s2 =	smov.u32 s18  }
0xed: {  	v2 =	vmul.f32 $1.000000000e+01, v2;
	v5 =	vmin.f32 v4, $2.400000100e+00;
	v4 =	vsub.f32 v15, v9  }
0xee: {  	s20 =	sadd.s32 $0x1320, s20;
	v8 =	vand.u32 $0xFFFF0000, v8;
	v11 =	vmax.f32 v11, $-2.500000000e+00;
	v9 =	vmax.f32 v12, $-2.500000000e+00;
	v6 =	vld.idx.msk [tilespmem:v6+s4+$0x0], $0xffff  }
0xef: {  	v15 =	vadd.f32 $2.500000000e+01, v2;
	v2 =	vmul.f32 $1.000000000e+01, v5;
	v5 =	vmin.f32 v17, $2.400000100e+00  }
0xf0: {  	v8 =	vsub.f32 v8, v18;
	v16 =	vsub.f32 v16, v14;
	v5 =	vmul.f32 $1.000000000e+01, v5  }
0xf1: {  	s1 =	sadd.s32 $0xFFFFFF80, s9;
	v9 =	vmin.f32 v9, $2.400000100e+00;
	v12 =	vtrunc.f32 v15;
	v19 =	vadd.f32 $2.500000000e+01, v2  }
0xf2: {  	s1 =	sand.u32 $0x3C00, s1;
	s3 =	sadd.s32 $0xFFFFFFF0, s13;
	v10 =	vmul.f32 v10, v8;
	v12 =	vcvt.f32.s32 v12;
	v2 =	vadd.f32 $2.500000000e+01, v5  }
0xf3: {  	s1 =	sadd.s32 s26, s1;
	s5 =	sadd.s32 $0xFFFFF010, s20;
	s3 =	sand.u32 $0x60, s3;
	v20 =	vmul.f32 $1.000000000e+01, v9;
	v8 =	vand.u32 $0xFFFF0000, v7;
	v5 =	vtrunc.f32 v19  }
0xf4: {  	s1 =	sor.u32 s3, s1;
	v17 =	vadd.s32 s5, v12;
	v5 =	vcvt.f32.s32 v5;
	v9 =	vshll.u32 v6, $0x10;
	v14 =	vld.idx.msk [tilespmem:v13+s4+$0x0], $0xffff  }
.Ltmp5:
0xf5: {  	s3 =	sadd.s32 $0xFFFFF9A0, s20;
	s19 =	sor.u32 s28, s1;
	v6 =	vand.u32 $0xFFFF0000, v6;
	v13 =	vcvt.s32.f32 v12;
	v12 =	vadd.s32 v0, v17;
	(pc) =	sbr.rel @p0 .LBB2_12-.Ltmp5, $4  }
0xf6: {  	v23 =	vsub.f32 v6, v9;
	v21 =	vadd.s32 s3, v5;
	v22 =	vcvt.s32.f32 v5;
	v17 =	vld [tilespmem:s19+$0xE100]  }
0xf7: {  	v18 =	vadd.f32 v18, v10;
	v5 =	vsub.f32 v15, v13;
	v13 =	vadd.s32 v0, v21  }
0xf8: {  	v10 =	vmin.f32 v11, $2.400000100e+00;
	v15 =	vmul.f32 v16, v23;
	v6 =	vsub.f32 v19, v22  }
0xf9: {  	s9 =	sadd.s32 $0x300, s9;
	s13 =	sadd.s32 $0x60, s13;
	s18 =	sadd.s32 $0xFFFFF670, s20;
	v11 =	vtrunc.f32 v2;
	v16 =	vmul.f32 $1.000000000e+01, v10;
	v10 =	vadd.f32 $2.500000000e+01, v20;
	[tilespmem:s15+$0x17100] =	vst v18  }
0xfa: {  	_ = 	snop  }
0xfb: {  	v17 =	vmax.f32 v17, $-2.500000000e+00  }
0xfc: {  	v17 =	vmin.f32 v17, $2.400000100e+00  }
0xfd: {  	v7 =	vshll.u32 v7, $0x10;
	v11 =	vcvt.f32.s32 v11;
	v17 =	vmul.f32 $1.000000000e+01, v17  }
0xfe: {  	v22 =	vand.u32 $0xFFFF0000, v14;
	v18 =	vtrunc.f32 v10;
	v16 =	vadd.f32 $2.500000000e+01, v16  }
0xff: {  	v18 =	vcvt.f32.s32 v18;
	v25 =	vadd.s32 s20, v11;
	v17 =	vadd.f32 $2.500000000e+01, v17  }
0x100: {  	v48 =	vshll.u32 v14, $0x10;
	v21 =	vtrunc.f32 v16;
	v25 =	vadd.s32 v0, v25  }
0x101: {  	v13 =	vld.idx.msk [tilespmem:v13+s4+$0x0], $0xffff;
	v20 =	vadd.s32 s18, v18;
	v21 =	vcvt.f32.s32 v21;
	v19 =	vtrunc.f32 v17  }
0x102: {  	s31 =	sadd.s32 $0xFFFFF340, s20;
	v12 =	vld.idx.msk [tilespmem:v12+s4+$0x0], $0xffff;
	v9 =	vadd.f32 v9, v15;
	v20 =	vadd.s32 v0, v20;
	v19 =	vcvt.f32.s32 v19  }
0x103: {  	s1 =	sadd.s32 $0xFFFFFCD0, s20;
	v22 =	vsub.f32 v22, v48;
	v8 =	vsub.f32 v8, v7;
	v24 =	vadd.s32 s31, v21  }
0x104: {  	v49 =	vcvt.s32.f32 v11;
	v24 =	vadd.s32 v0, v24;
	v23 =	vadd.s32 s1, v19  }
0x105: {  	v3 =	vmul.f32 v3, v22;
	v4 =	vmul.f32 v4, v8;
	v23 =	vadd.s32 v0, v23  }
0x106: {  	v18 =	vcvt.s32.f32 v18;
	v26 =	vshll.u32 v13, $0x10;
	v13 =	vand.u32 $0xFFFF0000, v13;
	v54 =	vld.idx.msk [tilespmem:v25+s4+$0x0], $0xffff  }
0x107: {  	v53 =	vshll.u32 v12, $0x10;
	v12 =	vand.u32 $0xFFFF0000, v12;
	v13 =	vsub.f32 v13, v26;
	v20 =	vld.idx.msk [tilespmem:v20+s4+$0x0], $0xffff  }
0x108: {  	v2 =	vsub.f32 v2, v49;
	v55 =	vcvt.s32.f32 v21;
	v12 =	vsub.f32 v12, v53  }
0x109: {  	v3 =	vadd.f32 v48, v3;
	v4 =	vadd.f32 v7, v4;
	v6 =	vmul.f32 v6, v13;
	v52 =	vld.idx.msk [tilespmem:v24+s4+$0x0], $0xffff  }
0x10a: {  	v50 =	vsub.f32 v10, v18;
	v14 =	vsub.f32 v16, v55;
	v62 =	vmul.f32 v5, v12;
	v51 =	vld.idx.msk [tilespmem:v23+s4+$0x0], $0xffff  }
0x10b: {  	v6 =	vadd.f32 v26, v6;
	v60 =	vand.u32 $0xFFFF0000, v54;
	v13 =	vshll.u32 v54, $0x10  }
0x10c: {  	v61 =	vsub.f32 v60, v13;
	v56 =	vshll.u32 v20, $0x10;
	v57 =	vand.u32 $0xFFFF0000, v20  }
0x10d: {  	[tilespmem:s25+$0x17100] =	vst v4;
	v19 =	vcvt.s32.f32 v19;
	v4 =	vadd.f32 v53, v62;
	v18 =	vsub.f32 v57, v56  }
0x10e: {  	[tilespmem:s29+$0x17100] =	vst v1;
	v2 =	vmul.f32 v2, v61;
	v1 =	vand.u32 $0xFFFF0000, v52;
	v7 =	vshll.u32 v52, $0x10  }
0x10f: {  	[tilespmem:s11+$0x17100] =	vst v9;
	v1 =	vsub.f32 v1, v7;
	v58 =	vshll.u32 v51, $0x10;
	v11 =	vand.u32 $0xFFFF0000, v51  }
0x110: {  	s23 =	sadd.s32 $0x1, s23;
	[tilespmem:s24+$0x17100] =	vst v3;
	v59 =	vsub.f32 v17, v19;
	v10 =	vmul.f32 v50, v18;
	v11 =	vsub.f32 v11, v58  }
0x111: {  	p0 =	sne.s32 s23, $0x18;
	[tilespmem:s2+$0x17100] =	vst v6;
	v2 =	vadd.f32 v13, v2;
	v1 =	vmul.f32 v14, v1  }
.Ltmp6:
0x112: {  	[tilespmem:s0+$0x17100] =	vst v4;
	v63 =	vadd.f32 v56, v10;
	v3 =	vmul.f32 v59, v11;
	(pc) =	sbr.rel @p0 .LBB2_11-.Ltmp6, $4  }
0x113: {  	[tilespmem:s7+$0x17100] =	vst v2;
	v1 =	vadd.f32 v7, v1  }
0x114: {  	[tilespmem:s10+$0x17100] =	vst v63;
	v3 =	vadd.f32 v58, v3  }
0x115: {  	[tilespmem:s6+$0x17100] =	vst v1  }
0x116: {  	[tilespmem:s19+$0x17100] =	vst v3  }
0x117: {  	s21 =	sadd.s32 $0x1, s21  }
0x118: {  	p0 =	sne.s32 s21, $0x18  }
.Ltmp7:
0x119: {  	_ = 	snop;
	(pc) =	sbr.rel @p0 .LBB2_2-.Ltmp7, $3  }
0x11a: {  	_ =	sdelay $0x1  }
0x11b: {  	s0 =	sadd.s32 s16, s22;
	s1 =	simm.s32 $0x17100  }
0x11c: {  	[hbm4b:s0+s4] =	stream.linear.scatter [tilespmem:s1], [sflag:$0x4], $0x4800, $0x38;
	[tilespmem:$0x1B900] =	vst v63  }
0x11d: {  	s0 =	simm.s32 $0x3  }
0x11e: {  	_ =	swait.ge [sflag:s0], $0x4800  }
0x11f: {  	[sflag:s0] =	ssyncset.done $0x0  }
0x120: {  	s1 =	simm.s32 $0x4;
	[sflag:s0] =	ssyncadd.s32 $0xFFFFB800  }
0x121: {  	_ =	swait.ge [sflag:s1], $0x4800  }
0x122: {  	s2 =	rddreg [dreg:$0xa]  }
0x123: {  	s31 =	rddreg [dreg:$0x9];
	s2 =	sadd.s32 $0x1, s2  }
0x124: {  	p0 =	sne.s32 s2, s31  }
.Ltmp8:
0x125: {  	_ = 	snop;
	(pc) =	sbr.rel @p0 .LBB2_1-.Ltmp8, $3  }
0x126: {  	_ =	sdelay $0x1  }
0x127: {  	[sflag:s1] =	ssyncset.done $0x0  }
0x128: {  	[sflag:s1] =	ssyncadd.s32 $0xFFFFB800  }
0x129: {  	_ =	sfence.sel $0x180000  }
0x12a: {  	[bflag:$0x0] =	sbarrier.arrive $0xFFFF  }
0x12b: {  	_ =	strace $0x90000047  }
0x12c: {  	s0 =	stileid.u32;
	[bflag:$0x2] =	sbarrier.arrive $0xFFFF  }
0x12d: {  	p0 =	sne.s32 s0, $0x0;
	s0 =	rddreg [dreg:$0x3]  }
0x12e: {  	s0 =	sadd.s32 @!p0 $0x100000, s0  }
0x12f: {  	[sflag:s0] =	ssyncadd.tile.s32 @!p0 $0x1;
	_ =	shalt  }
.Lfunc_end2:
_tile_overlayer_lowered:
.L_overlay_start_2:
0x130: {  	(tag) =	ssettag $0x2  }
0x131: {  	s0 =	rddreg [dreg:$0x0];
	s2 =	stileid.u32  }
0x132: {  	s1 =	rddreg [dreg:$0x1];
	p0 =	sne.s32 s2, $0x0  }
0x133: {  	s3 =	rddreg [dreg:$0x2];
	[bflag:$0x3] =	sbarrier.arrive $0xFFFF;
	s2 =	simm.s32 @!p0 $0x1C05  }
0x134: {  	[timem:s3], [sflag:s2] =	dma.local @!p0 [hbm:s0], s1  }
0x135: {  	s0 =	simm.s32 @!p0 $0x5  }
0x136: {  	_ =	swait.ge @!p0 [sflag:s0], s1  }
0x137: {  	s1 =	ssub.s32 @!p0 $0x0, s1;
	[sflag:s0] =	ssyncset.done @!p0 $0x0  }
0x138: {  	[sflag:s0] =	ssyncadd.s32 @!p0 s1  }
0x139: {  	[bflag:$0x3] =	sbarrier.arrive $0xFFFF  }
0x13a: {  	_ =	shalt  }

</sc_bundles>
